<compile_context>
chip_gen: v7x
topology: tpu7x:2x2x1
jax: 0.10.2.dev20260603
libtpu: 0.0.44.dev20260713+nightly
codegen_flags: <defaults>
</compile_context>

<pallas_src>
import functools

import jax
import jax.numpy as jnp
from jax import lax
from jax.experimental import pallas as pl
from jax.experimental.pallas import tpu as pltpu
from jax.experimental.pallas import tpu_sc as plsc

_N_HEADS = 16
_MAX_DIST = 512
_TBL = 2 * _MAX_DIST + 1
_Q = 2048
_K = 2048
_P_LEFT = _K - _MAX_DIST - 1
_E_SC = 4352
_E_HALF = _E_SC // 2
_E8_LEN = 4224
_E128_LEN = 4096



_ROW = 1056


def _sc_prep_body(tbl_hbm, e_hbm, tbl_v, e_v, sem):
    wid = lax.axis_index("s") * 2 + lax.axis_index("c")
    h = wid // 2
    half = wid % 2
    pltpu.sync_copy(tbl_hbm.at[pl.ds(pl.multiple_of(h * _ROW, 8), _ROW)], tbl_v)
    dvec = tbl_v[pl.ds(1032, 16)].astype(jnp.int32)
    iota = lax.iota(jnp.int32, 16)
    base_vec = half * _E_HALF + iota - (7 + _P_LEFT) + dvec
    unroll = 8

    def body(t, carry):
        u0 = t * (16 * unroll)
        for k in range(unroll):
            u_base = u0 + 16 * k
            idx = jnp.clip(u_base + base_vec, 0, _TBL - 1)
            vals = plsc.load_gather(tbl_v, [idx])
            e_v[pl.ds(pl.multiple_of(u_base, 8), 16)] = vals
        return carry

    lax.fori_loop(0, _E_HALF // (16 * unroll), body, 0)
    dst = pl.multiple_of(h * _E_SC + half * _E_HALF, 128)
    pltpu.sync_copy(e_v, e_hbm.at[pl.ds(dst, _E_HALF)])



def _expand_body(e_ref, out_ref, e8_ref, e128_ref):
    for r in range(8):
        e8_ref[r:r + 1, :] = e_ref[0, :, 7 - r:7 - r + _E8_LEN]
    for a in range(16):
        off = 127 - 8 * a
        e128_ref[8 * a:8 * a + 8, :] = e8_ref[:, off:off + _E128_LEN]
    for qb in range(2):

        @pl.when(pl.program_id(1) == qb)
        def _():
            for b_loc in range(8):
                b = 8 * qb + b_loc
                s = 1920 - 128 * b
                out_ref[0, 128 * b_loc:128 * (b_loc + 1), :] = \
                    e128_ref[:, s:s + _K]


def kernel(q_len, k_len, rel_bias):
    d = (k_len - _K) - (q_len - _Q)

    sc_prep = functools.partial(
        pl.kernel,
        mesh=plsc.VectorSubcoreMesh(core_axis_name="c", subcore_axis_name="s"),
        out_type=jax.ShapeDtypeStruct((_N_HEADS * _E_SC,), rel_bias.dtype),
        scratch_types=[
            pltpu.VMEM((_ROW,), rel_bias.dtype),
            pltpu.VMEM((_E_HALF,), rel_bias.dtype),
            pltpu.SemaphoreType.DMA,
        ],
        compiler_params=pltpu.CompilerParams(needs_layout_passes=False),
    )(_sc_prep_body)
    tbl_t = jnp.concatenate(
        [rel_bias.T, jnp.zeros((_N_HEADS, 7), rel_bias.dtype),
         jnp.full((_N_HEADS, 16), d, rel_bias.dtype),
         jnp.zeros((_N_HEADS, _ROW - 1048), rel_bias.dtype)], axis=1)
    e = sc_prep(tbl_t.reshape(-1)).reshape(_N_HEADS, 1, _E_SC)

    out = pl.pallas_call(
        _expand_body,
        grid=(_N_HEADS, 2),
        in_specs=[pl.BlockSpec((1, 1, _E_SC), lambda h, qb: (h, 0, 0))],
        out_specs=pl.BlockSpec((1, _Q // 2, _K), lambda h, qb: (h, qb, 0)),
        out_shape=jax.ShapeDtypeStruct((_N_HEADS, _Q, _K), rel_bias.dtype),
        scratch_shapes=[pltpu.VMEM((8, _E8_LEN), rel_bias.dtype),
                        pltpu.VMEM((128, _E128_LEN), rel_bias.dtype)],
        compiler_params=pltpu.CompilerParams(
            dimension_semantics=("parallel", "parallel"),
        ),
    )(e)
    return out

# --- scband reference (transcript-rebuilt; emitter-appended) ---
"""Pipeline reference for scband-rel-pos-bias-32323923869716 (READ-ONLY COPY).

The authoritative reference and input builder live on the scoring server;
editing this copy changes nothing except your own understanding.
"""

import jax, jax.numpy as jnp
import numpy as np

N_HEADS = 16
MAX_DIST = 512
Q_LEN = 2048
K_LEN = 2048


def setup_inputs(seed: int = 0) -> dict:
    key = jax.random.key(seed)
    rel_bias = jax.random.truncated_normal(key, -2.0, 2.0, (2 * MAX_DIST + 1, N_HEADS), dtype=jnp.float32) * 0.02
    return {"q_len": 2048, "k_len": 2048, "rel_bias": rel_bias}


def reference(q_len, k_len, rel_bias):
    qs = (jnp.arange(Q_LEN) + (q_len - Q_LEN))[:, None]
    ks = (jnp.arange(K_LEN) + (k_len - K_LEN))[None, :]
    rel = jnp.clip(ks - qs, -MAX_DIST, MAX_DIST) + MAX_DIST  # [q_len, k_len]
    bias = jnp.take(rel_bias, rel, axis=0)  # [q_len, k_len, n_heads]
    bias = jnp.transpose(bias, (2, 0, 1))  # [n_heads, q_len, k_len]
    return bias

if __name__ == "__main__":
    import jax
    _d = setup_inputs()
    print(jax.jit(kernel)(*tuple(_d.values())))

</pallas_src>

<mosaic_0001>
#map = affine_map<(d0, d1) -> (0)>
module attributes {stable_mosaic.version = 14 : i64} {
  func.func @_sc_prep_body(%arg0: i32, %arg1: i32, %arg2: memref<16896xf32, #tpu.memory_space<hbm>>, %arg3: memref<69632xf32, #tpu.memory_space<hbm>>, %arg4: memref<1056xf32, #tpu.memory_space<vmem>>, %arg5: memref<2176xf32, #tpu.memory_space<vmem>>, %arg6: memref<!tpu.dma_semaphore, #tpu.memory_space<semaphore_mem>>) attributes {dimension_semantics = [#tpu.dimension_semantics<core_parallel>, #tpu.dimension_semantics<subcore_parallel>], iteration_bounds = array<i64: 2, 16>, scalar_prefetch = 0 : i64, scratch_operands = 3 : i64, tpu.core_type = #tpu.core_type<sc_vector_subcore>, window_params = [{transform_indices = #map}, {transform_indices = #map}]} {
    %mul3A = arith.constant 2 : i32
    %mul3A_0 = arith.muli %arg1, %mul3A : i32
    %add3A = arith.addi %mul3A_0, %arg0 : i32
    %jit3A = arith.constant 2 : i32
    %div3A = arith.divsi %add3A, %jit3A : i32
    %sign3A = arith.constant 0 : i32
    %sign3A_1 = arith.cmpi sgt, %add3A, %sign3A : i32
    %sign3A_2 = arith.extui %sign3A_1 : i1 to i32
    %sign3A_3 = arith.constant 0 : i32
    %sign3A_4 = arith.cmpi slt, %add3A, %sign3A_3 : i32
    %sign3A_5 = arith.extui %sign3A_4 : i1 to i32
    %sign3A_6 = arith.subi %sign3A_2, %sign3A_5 : i32
    %sign3A_7 = arith.constant 0 : i32
    %sign3A_8 = arith.cmpi sgt, %jit3A, %sign3A_7 : i32
    %sign3A_9 = arith.extui %sign3A_8 : i1 to i32
    %sign3A_10 = arith.constant 0 : i32
    %sign3A_11 = arith.cmpi slt, %jit3A, %sign3A_10 : i32
    %sign3A_12 = arith.extui %sign3A_11 : i1 to i32
    %sign3A_13 = arith.subi %sign3A_9, %sign3A_12 : i32
    %ne3A = arith.cmpi ne, %sign3A_6, %sign3A_13 : i32
    %rem3A = arith.remsi %add3A, %jit3A : i32
    %ne3A_14 = arith.constant 0 : i32
    %ne3A_15 = arith.cmpi ne, %rem3A, %ne3A_14 : i32
    %and3A = arith.andi %ne3A, %ne3A_15 : i1
    %sub3A = arith.constant 1 : i32
    %sub3A_16 = arith.subi %div3A, %sub3A : i32
    %select_n3A = arith.select %and3A, %sub3A_16, %div3A : i32
    %jit3A_17 = arith.constant 2 : i32
    %eq3A = arith.constant 0 : i32
    %eq3A_18 = arith.cmpi eq, %jit3A_17, %eq3A : i32
    %jit3A_19 = arith.constant 1 : i32
    %select_n3A_20 = arith.select %eq3A_18, %jit3A_19, %jit3A_17 : i32
    %rem3A_21 = arith.remsi %add3A, %select_n3A_20 : i32
    %ne3A_22 = arith.constant 0 : i32
    %ne3A_23 = arith.cmpi ne, %rem3A_21, %ne3A_22 : i32
    %lt3A = arith.constant 0 : i32
    %lt3A_24 = arith.cmpi slt, %rem3A_21, %lt3A : i32
    %lt3A_25 = arith.constant 0 : i32
    %lt3A_26 = arith.cmpi slt, %select_n3A_20, %lt3A_25 : i32
    %ne3A_27 = arith.xori %lt3A_24, %lt3A_26 : i1
    %and3A_28 = arith.andi %ne3A_27, %ne3A_23 : i1
    %add3A_29 = arith.addi %rem3A_21, %select_n3A_20 : i32
    %select_n3A_30 = arith.select %and3A_28, %add3A_29, %rem3A_21 : i32
    %mul3A_31 = arith.constant 1056 : i32
    %mul3A_32 = arith.muli %select_n3A, %mul3A_31 : i32
    %multiple_of3A = tpu.assume_multiple %mul3A_32, 8 : i32
    "tpu.region"() ({
      %run_scoped3A = tpu.sem_alloc : memref<!tpu.dma_semaphore, #tpu.memory_space<semaphore_mem>>
      %dma_start3A = tpu.memref_slice %arg2[%multiple_of3A] : memref<16896xf32, #tpu.memory_space<hbm>> -> memref<1056xf32, #tpu.memory_space<hbm>>
      %dma_start3A_53 = tpu.memref_slice %arg2[%multiple_of3A] : memref<16896xf32, #tpu.memory_space<hbm>> -> memref<1056xf32, #tpu.memory_space<hbm>>
      tpu.enqueue_dma source(%dma_start3A_53 : memref<1056xf32, #tpu.memory_space<hbm>>) target(%arg4 : memref<1056xf32, #tpu.memory_space<vmem>>) target_semaphore(%run_scoped3A : memref<!tpu.dma_semaphore, #tpu.memory_space<semaphore_mem>>)
      %dma_wait3A = tpu.memref_slice %arg2[%multiple_of3A] : memref<16896xf32, #tpu.memory_space<hbm>> -> memref<1056xf32, #tpu.memory_space<hbm>>
      %dma_wait3A_54 = tpu.memref_slice %arg2[%multiple_of3A] : memref<16896xf32, #tpu.memory_space<hbm>> -> memref<1056xf32, #tpu.memory_space<hbm>>
      tpu.wait_dma2 semaphore(%run_scoped3A : memref<!tpu.dma_semaphore, #tpu.memory_space<semaphore_mem>>) src(%dma_wait3A_54 : memref<1056xf32, #tpu.memory_space<hbm>>) dst(%arg4 : memref<1056xf32, #tpu.memory_space<vmem>>)
      tpu.yield
    }) : () -> ()
    %get3A = arith.constant 1032 : index
    %get3A_33 = tpu.vector_load %arg4[%get3A] {strides = array<i32>} : memref<1056xf32, #tpu.memory_space<vmem>>, vector<16xf32>,
    %convert_element_type3A = arith.fptosi %get3A_33 : vector<16xf32> to vector<16xi32>
    %iota3A = tpu.iota {dimensions = array<i32: 0>} : vector<16xi32>
    %mul3A_34 = arith.constant 2176 : i32
    %mul3A_35 = arith.muli %select_n3A_30, %mul3A_34 : i32
    %add3A_36 = vector.broadcast %mul3A_35 : i32 to vector<16xi32>
    %add3A_37 = arith.addi %add3A_36, %iota3A : vector<16xi32>
    %sub3A_38 = arith.constant 1542 : i32
    %sub3A_39 = vector.broadcast %sub3A_38 : i32 to vector<16xi32>
    %sub3A_40 = arith.subi %add3A_37, %sub3A_39 : vector<16xi32>
    %add3A_41 = arith.addi %sub3A_40, %convert_element_type3A : vector<16xi32>
    %scan3A = arith.constant 0 : i32
    %scan3A_42 = arith.constant 0 : i32
    %scan3A_43 = arith.constant 17 : i32
    %scan3A_44 = arith.addi %scan3A_42, %scan3A_43 : i32
    %scan3A_45 = arith.constant 1 : i32
    scf.for %scan3A_53 = %scan3A_42 to %scan3A_44 step %scan3A_45  : i32 {
      %mul3A_54 = arith.constant 128 : i32
      %mul3A_55 = arith.muli %scan3A_53, %mul3A_54 : i32
      %add3A_56 = arith.constant 0 : i32
      %add3A_57 = arith.addi %mul3A_55, %add3A_56 : i32
      %add3A_58 = vector.broadcast %add3A_57 : i32 to vector<16xi32>
      %add3A_59 = arith.addi %add3A_58, %add3A_41 : vector<16xi32>
      %jit3A_60 = arith.constant 0 : i32
      %jit3A_61 = arith.constant 1024 : i32
      %max3A = vector.broadcast %jit3A_60 : i32 to vector<16xi32>
      %max3A_62 = arith.maxsi %max3A, %add3A_59 : vector<16xi32>
      %min3A = vector.broadcast %jit3A_61 : i32 to vector<16xi32>
      %min3A_63 = arith.minsi %min3A, %max3A_62 : vector<16xi32>
      %gather3A = tpu.vector_load_idx %arg4[%min3A_63] : memref<1056xf32, #tpu.memory_space<vmem>>[vector<16xi32>], vector<16xf32>,
      %multiple_of3A_64 = tpu.assume_multiple %add3A_57, 8 : i32
      %swap3A = arith.index_cast %multiple_of3A_64 : i32 to index
      %swap3A_65 = tpu.vector_load %arg5[%swap3A] {strides = array<i32>} : memref<2176xf32, #tpu.memory_space<vmem>>, vector<16xf32>,
      tpu.vector_store %arg5[%swap3A], %gather3A {strides = array<i32>} : memref<2176xf32, #tpu.memory_space<vmem>>, vector<16xf32>,
      %add3A_66 = arith.constant 16 : i32
      %add3A_67 = arith.addi %mul3A_55, %add3A_66 : i32
      %add3A_68 = vector.broadcast %add3A_67 : i32 to vector<16xi32>
      %add3A_69 = arith.addi %add3A_68, %add3A_41 : vector<16xi32>
      %jit3A_70 = arith.constant 0 : i32
      %jit3A_71 = arith.constant 1024 : i32
      %max3A_72 = vector.broadcast %jit3A_70 : i32 to vector<16xi32>
      %max3A_73 = arith.maxsi %max3A_72, %add3A_69 : vector<16xi32>
      %min3A_74 = vector.broadcast %jit3A_71 : i32 to vector<16xi32>
      %min3A_75 = arith.minsi %min3A_74, %max3A_73 : vector<16xi32>
      %gather3A_76 = tpu.vector_load_idx %arg4[%min3A_75] : memref<1056xf32, #tpu.memory_space<vmem>>[vector<16xi32>], vector<16xf32>,
      %multiple_of3A_77 = tpu.assume_multiple %add3A_67, 8 : i32
      %swap3A_78 = arith.index_cast %multiple_of3A_77 : i32 to index
      %swap3A_79 = tpu.vector_load %arg5[%swap3A_78] {strides = array<i32>} : memref<2176xf32, #tpu.memory_space<vmem>>, vector<16xf32>,
      tpu.vector_store %arg5[%swap3A_78], %gather3A_76 {strides = array<i32>} : memref<2176xf32, #tpu.memory_space<vmem>>, vector<16xf32>,
      %add3A_80 = arith.constant 32 : i32
      %add3A_81 = arith.addi %mul3A_55, %add3A_80 : i32
      %add3A_82 = vector.broadcast %add3A_81 : i32 to vector<16xi32>
      %add3A_83 = arith.addi %add3A_82, %add3A_41 : vector<16xi32>
      %jit3A_84 = arith.constant 0 : i32
      %jit3A_85 = arith.constant 1024 : i32
      %max3A_86 = vector.broadcast %jit3A_84 : i32 to vector<16xi32>
      %max3A_87 = arith.maxsi %max3A_86, %add3A_83 : vector<16xi32>
      %min3A_88 = vector.broadcast %jit3A_85 : i32 to vector<16xi32>
      %min3A_89 = arith.minsi %min3A_88, %max3A_87 : vector<16xi32>
      %gather3A_90 = tpu.vector_load_idx %arg4[%min3A_89] : memref<1056xf32, #tpu.memory_space<vmem>>[vector<16xi32>], vector<16xf32>,
      %multiple_of3A_91 = tpu.assume_multiple %add3A_81, 8 : i32
      %swap3A_92 = arith.index_cast %multiple_of3A_91 : i32 to index
      %swap3A_93 = tpu.vector_load %arg5[%swap3A_92] {strides = array<i32>} : memref<2176xf32, #tpu.memory_space<vmem>>, vector<16xf32>,
      tpu.vector_store %arg5[%swap3A_92], %gather3A_90 {strides = array<i32>} : memref<2176xf32, #tpu.memory_space<vmem>>, vector<16xf32>,
      %add3A_94 = arith.constant 48 : i32
      %add3A_95 = arith.addi %mul3A_55, %add3A_94 : i32
      %add3A_96 = vector.broadcast %add3A_95 : i32 to vector<16xi32>
      %add3A_97 = arith.addi %add3A_96, %add3A_41 : vector<16xi32>
      %jit3A_98 = arith.constant 0 : i32
      %jit3A_99 = arith.constant 1024 : i32
      %max3A_100 = vector.broadcast %jit3A_98 : i32 to vector<16xi32>
      %max3A_101 = arith.maxsi %max3A_100, %add3A_97 : vector<16xi32>
      %min3A_102 = vector.broadcast %jit3A_99 : i32 to vector<16xi32>
      %min3A_103 = arith.minsi %min3A_102, %max3A_101 : vector<16xi32>
      %gather3A_104 = tpu.vector_load_idx %arg4[%min3A_103] : memref<1056xf32, #tpu.memory_space<vmem>>[vector<16xi32>], vector<16xf32>,
      %multiple_of3A_105 = tpu.assume_multiple %add3A_95, 8 : i32
      %swap3A_106 = arith.index_cast %multiple_of3A_105 : i32 to index
      %swap3A_107 = tpu.vector_load %arg5[%swap3A_106] {strides = array<i32>} : memref<2176xf32, #tpu.memory_space<vmem>>, vector<16xf32>,
      tpu.vector_store %arg5[%swap3A_106], %gather3A_104 {strides = array<i32>} : memref<2176xf32, #tpu.memory_space<vmem>>, vector<16xf32>,
      %add3A_108 = arith.constant 64 : i32
      %add3A_109 = arith.addi %mul3A_55, %add3A_108 : i32
      %add3A_110 = vector.broadcast %add3A_109 : i32 to vector<16xi32>
      %add3A_111 = arith.addi %add3A_110, %add3A_41 : vector<16xi32>
      %jit3A_112 = arith.constant 0 : i32
      %jit3A_113 = arith.constant 1024 : i32
      %max3A_114 = vector.broadcast %jit3A_112 : i32 to vector<16xi32>
      %max3A_115 = arith.maxsi %max3A_114, %add3A_111 : vector<16xi32>
      %min3A_116 = vector.broadcast %jit3A_113 : i32 to vector<16xi32>
      %min3A_117 = arith.minsi %min3A_116, %max3A_115 : vector<16xi32>
      %gather3A_118 = tpu.vector_load_idx %arg4[%min3A_117] : memref<1056xf32, #tpu.memory_space<vmem>>[vector<16xi32>], vector<16xf32>,
      %multiple_of3A_119 = tpu.assume_multiple %add3A_109, 8 : i32
      %swap3A_120 = arith.index_cast %multiple_of3A_119 : i32 to index
      %swap3A_121 = tpu.vector_load %arg5[%swap3A_120] {strides = array<i32>} : memref<2176xf32, #tpu.memory_space<vmem>>, vector<16xf32>,
      tpu.vector_store %arg5[%swap3A_120], %gather3A_118 {strides = array<i32>} : memref<2176xf32, #tpu.memory_space<vmem>>, vector<16xf32>,
      %add3A_122 = arith.constant 80 : i32
      %add3A_123 = arith.addi %mul3A_55, %add3A_122 : i32
      %add3A_124 = vector.broadcast %add3A_123 : i32 to vector<16xi32>
      %add3A_125 = arith.addi %add3A_124, %add3A_41 : vector<16xi32>
      %jit3A_126 = arith.constant 0 : i32
      %jit3A_127 = arith.constant 1024 : i32
      %max3A_128 = vector.broadcast %jit3A_126 : i32 to vector<16xi32>
      %max3A_129 = arith.maxsi %max3A_128, %add3A_125 : vector<16xi32>
      %min3A_130 = vector.broadcast %jit3A_127 : i32 to vector<16xi32>
      %min3A_131 = arith.minsi %min3A_130, %max3A_129 : vector<16xi32>
      %gather3A_132 = tpu.vector_load_idx %arg4[%min3A_131] : memref<1056xf32, #tpu.memory_space<vmem>>[vector<16xi32>], vector<16xf32>,
      %multiple_of3A_133 = tpu.assume_multiple %add3A_123, 8 : i32
      %swap3A_134 = arith.index_cast %multiple_of3A_133 : i32 to index
      %swap3A_135 = tpu.vector_load %arg5[%swap3A_134] {strides = array<i32>} : memref<2176xf32, #tpu.memory_space<vmem>>, vector<16xf32>,
      tpu.vector_store %arg5[%swap3A_134], %gather3A_132 {strides = array<i32>} : memref<2176xf32, #tpu.memory_space<vmem>>, vector<16xf32>,
      %add3A_136 = arith.constant 96 : i32
      %add3A_137 = arith.addi %mul3A_55, %add3A_136 : i32
      %add3A_138 = vector.broadcast %add3A_137 : i32 to vector<16xi32>
      %add3A_139 = arith.addi %add3A_138, %add3A_41 : vector<16xi32>
      %jit3A_140 = arith.constant 0 : i32
      %jit3A_141 = arith.constant 1024 : i32
      %max3A_142 = vector.broadcast %jit3A_140 : i32 to vector<16xi32>
      %max3A_143 = arith.maxsi %max3A_142, %add3A_139 : vector<16xi32>
      %min3A_144 = vector.broadcast %jit3A_141 : i32 to vector<16xi32>
      %min3A_145 = arith.minsi %min3A_144, %max3A_143 : vector<16xi32>
      %gather3A_146 = tpu.vector_load_idx %arg4[%min3A_145] : memref<1056xf32, #tpu.memory_space<vmem>>[vector<16xi32>], vector<16xf32>,
      %multiple_of3A_147 = tpu.assume_multiple %add3A_137, 8 : i32
      %swap3A_148 = arith.index_cast %multiple_of3A_147 : i32 to index
      %swap3A_149 = tpu.vector_load %arg5[%swap3A_148] {strides = array<i32>} : memref<2176xf32, #tpu.memory_space<vmem>>, vector<16xf32>,
      tpu.vector_store %arg5[%swap3A_148], %gather3A_146 {strides = array<i32>} : memref<2176xf32, #tpu.memory_space<vmem>>, vector<16xf32>,
      %add3A_150 = arith.constant 112 : i32
      %add3A_151 = arith.addi %mul3A_55, %add3A_150 : i32
      %add3A_152 = vector.broadcast %add3A_151 : i32 to vector<16xi32>
      %add3A_153 = arith.addi %add3A_152, %add3A_41 : vector<16xi32>
      %jit3A_154 = arith.constant 0 : i32
      %jit3A_155 = arith.constant 1024 : i32
      %max3A_156 = vector.broadcast %jit3A_154 : i32 to vector<16xi32>
      %max3A_157 = arith.maxsi %max3A_156, %add3A_153 : vector<16xi32>
      %min3A_158 = vector.broadcast %jit3A_155 : i32 to vector<16xi32>
      %min3A_159 = arith.minsi %min3A_158, %max3A_157 : vector<16xi32>
      %gather3A_160 = tpu.vector_load_idx %arg4[%min3A_159] : memref<1056xf32, #tpu.memory_space<vmem>>[vector<16xi32>], vector<16xf32>,
      %multiple_of3A_161 = tpu.assume_multiple %add3A_151, 8 : i32
      %swap3A_162 = arith.index_cast %multiple_of3A_161 : i32 to index
      %swap3A_163 = tpu.vector_load %arg5[%swap3A_162] {strides = array<i32>} : memref<2176xf32, #tpu.memory_space<vmem>>, vector<16xf32>,
      tpu.vector_store %arg5[%swap3A_162], %gather3A_160 {strides = array<i32>} : memref<2176xf32, #tpu.memory_space<vmem>>, vector<16xf32>,
    }
    %scan3A_46 = arith.constant 17 : i32
    %mul3A_47 = arith.constant 4352 : i32
    %mul3A_48 = arith.muli %select_n3A, %mul3A_47 : i32
    %mul3A_49 = arith.constant 2176 : i32
    %mul3A_50 = arith.muli %select_n3A_30, %mul3A_49 : i32
    %add3A_51 = arith.addi %mul3A_48, %mul3A_50 : i32
    %multiple_of3A_52 = tpu.assume_multiple %add3A_51, 128 : i32
    "tpu.region"() ({
      %run_scoped3A = tpu.sem_alloc : memref<!tpu.dma_semaphore, #tpu.memory_space<semaphore_mem>>
      %dma_start3A = tpu.memref_slice %arg3[%multiple_of3A_52] : memref<69632xf32, #tpu.memory_space<hbm>> -> memref<2176xf32, #tpu.memory_space<hbm>>
      %dma_start3A_53 = tpu.memref_slice %arg3[%multiple_of3A_52] : memref<69632xf32, #tpu.memory_space<hbm>> -> memref<2176xf32, #tpu.memory_space<hbm>>
      tpu.enqueue_dma source(%arg5 : memref<2176xf32, #tpu.memory_space<vmem>>) target(%dma_start3A_53 : memref<2176xf32, #tpu.memory_space<hbm>>) target_semaphore(%run_scoped3A : memref<!tpu.dma_semaphore, #tpu.memory_space<semaphore_mem>>)
      %dma_wait3A = tpu.memref_slice %arg3[%multiple_of3A_52] : memref<69632xf32, #tpu.memory_space<hbm>> -> memref<2176xf32, #tpu.memory_space<hbm>>
      %dma_wait3A_54 = tpu.memref_slice %arg3[%multiple_of3A_52] : memref<69632xf32, #tpu.memory_space<hbm>> -> memref<2176xf32, #tpu.memory_space<hbm>>
      tpu.wait_dma2 semaphore(%run_scoped3A : memref<!tpu.dma_semaphore, #tpu.memory_space<semaphore_mem>>) src(%arg5 : memref<2176xf32, #tpu.memory_space<vmem>>) dst(%dma_wait3A_54 : memref<2176xf32, #tpu.memory_space<hbm>>)
      tpu.yield
    }) : () -> ()
    return
  }
}

module attributes {stable_mosaic.version = 14 : i64} {
  func.func @_expand_body(%arg0: i32, %arg1: i32, %arg2: memref<1x1x4352xf32, #tpu.memory_space<vmem>>, %arg3: memref<1x1024x2048xf32, #tpu.memory_space<vmem>>, %arg4: memref<8x4224xf32, #tpu.memory_space<vmem>>, %arg5: memref<128x4096xf32, #tpu.memory_space<vmem>>) attributes {dimension_semantics = [#tpu.dimension_semantics<parallel>, #tpu.dimension_semantics<parallel>], iteration_bounds = array<i64: 16, 2>, scalar_prefetch = 0 : i64, scratch_operands = 2 : i64, tpu.core_type = #tpu.core_type<tc>, window_params = [{transform_indices = @transform_0, window_bounds = array<i64: 1, 1, 4352>}, {transform_indices = @transform_1, window_bounds = array<i64: 1, 1024, 2048>}]} {
    %get3A = arith.constant 0 : index
    %get3A_0 = arith.constant 0 : index
    %get3A_1 = arith.constant 7 : index
    %get3A_2 = vector.load %arg2[%get3A, %get3A_0, %get3A_1] : memref<1x1x4352xf32, #tpu.memory_space<vmem>>, vector<1x1x4224xf32>
    %get3A_3 = vector.shape_cast %get3A_2 : vector<1x1x4224xf32> to vector<1x4224xf32>
    %swap3A = arith.constant 0 : index
    %swap3A_4 = arith.constant 0 : index
    %swap3A_5 = vector.load %arg4[%swap3A, %swap3A_4] : memref<8x4224xf32, #tpu.memory_space<vmem>>, vector<1x4224xf32>
    tpu.vector_store %arg4[%swap3A, %swap3A_4], %get3A_3 {strides = array<i32>} : memref<8x4224xf32, #tpu.memory_space<vmem>>, vector<1x4224xf32>,
    %get3A_6 = arith.constant 0 : index
    %get3A_7 = arith.constant 0 : index
    %get3A_8 = arith.constant 6 : index
    %get3A_9 = vector.load %arg2[%get3A_6, %get3A_7, %get3A_8] : memref<1x1x4352xf32, #tpu.memory_space<vmem>>, vector<1x1x4224xf32>
    %get3A_10 = vector.shape_cast %get3A_9 : vector<1x1x4224xf32> to vector<1x4224xf32>
    %swap3A_11 = arith.constant 1 : index
    %swap3A_12 = arith.constant 0 : index
    %swap3A_13 = vector.load %arg4[%swap3A_11, %swap3A_12] : memref<8x4224xf32, #tpu.memory_space<vmem>>, vector<1x4224xf32>
    tpu.vector_store %arg4[%swap3A_11, %swap3A_12], %get3A_10 {strides = array<i32>} : memref<8x4224xf32, #tpu.memory_space<vmem>>, vector<1x4224xf32>,
    %get3A_14 = arith.constant 0 : index
    %get3A_15 = arith.constant 0 : index
    %get3A_16 = arith.constant 5 : index
    %get3A_17 = vector.load %arg2[%get3A_14, %get3A_15, %get3A_16] : memref<1x1x4352xf32, #tpu.memory_space<vmem>>, vector<1x1x4224xf32>
    %get3A_18 = vector.shape_cast %get3A_17 : vector<1x1x4224xf32> to vector<1x4224xf32>
    %swap3A_19 = arith.constant 2 : index
    %swap3A_20 = arith.constant 0 : index
    %swap3A_21 = vector.load %arg4[%swap3A_19, %swap3A_20] : memref<8x4224xf32, #tpu.memory_space<vmem>>, vector<1x4224xf32>
    tpu.vector_store %arg4[%swap3A_19, %swap3A_20], %get3A_18 {strides = array<i32>} : memref<8x4224xf32, #tpu.memory_space<vmem>>, vector<1x4224xf32>,
    %get3A_22 = arith.constant 0 : index
    %get3A_23 = arith.constant 0 : index
    %get3A_24 = arith.constant 4 : index
    %get3A_25 = vector.load %arg2[%get3A_22, %get3A_23, %get3A_24] : memref<1x1x4352xf32, #tpu.memory_space<vmem>>, vector<1x1x4224xf32>
    %get3A_26 = vector.shape_cast %get3A_25 : vector<1x1x4224xf32> to vector<1x4224xf32>
    %swap3A_27 = arith.constant 3 : index
    %swap3A_28 = arith.constant 0 : index
    %swap3A_29 = vector.load %arg4[%swap3A_27, %swap3A_28] : memref<8x4224xf32, #tpu.memory_space<vmem>>, vector<1x4224xf32>
    tpu.vector_store %arg4[%swap3A_27, %swap3A_28], %get3A_26 {strides = array<i32>} : memref<8x4224xf32, #tpu.memory_space<vmem>>, vector<1x4224xf32>,
    %get3A_30 = arith.constant 0 : index
    %get3A_31 = arith.constant 0 : index
    %get3A_32 = arith.constant 3 : index
    %get3A_33 = vector.load %arg2[%get3A_30, %get3A_31, %get3A_32] : memref<1x1x4352xf32, #tpu.memory_space<vmem>>, vector<1x1x4224xf32>
    %get3A_34 = vector.shape_cast %get3A_33 : vector<1x1x4224xf32> to vector<1x4224xf32>
    %swap3A_35 = arith.constant 4 : index
    %swap3A_36 = arith.constant 0 : index
    %swap3A_37 = vector.load %arg4[%swap3A_35, %swap3A_36] : memref<8x4224xf32, #tpu.memory_space<vmem>>, vector<1x4224xf32>
    tpu.vector_store %arg4[%swap3A_35, %swap3A_36], %get3A_34 {strides = array<i32>} : memref<8x4224xf32, #tpu.memory_space<vmem>>, vector<1x4224xf32>,
    %get3A_38 = arith.constant 0 : index
    %get3A_39 = arith.constant 0 : index
    %get3A_40 = arith.constant 2 : index
    %get3A_41 = vector.load %arg2[%get3A_38, %get3A_39, %get3A_40] : memref<1x1x4352xf32, #tpu.memory_space<vmem>>, vector<1x1x4224xf32>
    %get3A_42 = vector.shape_cast %get3A_41 : vector<1x1x4224xf32> to vector<1x4224xf32>
    %swap3A_43 = arith.constant 5 : index
    %swap3A_44 = arith.constant 0 : index
    %swap3A_45 = vector.load %arg4[%swap3A_43, %swap3A_44] : memref<8x4224xf32, #tpu.memory_space<vmem>>, vector<1x4224xf32>
    tpu.vector_store %arg4[%swap3A_43, %swap3A_44], %get3A_42 {strides = array<i32>} : memref<8x4224xf32, #tpu.memory_space<vmem>>, vector<1x4224xf32>,
    %get3A_46 = arith.constant 0 : index
    %get3A_47 = arith.constant 0 : index
    %get3A_48 = arith.constant 1 : index
    %get3A_49 = vector.load %arg2[%get3A_46, %get3A_47, %get3A_48] : memref<1x1x4352xf32, #tpu.memory_space<vmem>>, vector<1x1x4224xf32>
    %get3A_50 = vector.shape_cast %get3A_49 : vector<1x1x4224xf32> to vector<1x4224xf32>
    %swap3A_51 = arith.constant 6 : index
    %swap3A_52 = arith.constant 0 : index
    %swap3A_53 = vector.load %arg4[%swap3A_51, %swap3A_52] : memref<8x4224xf32, #tpu.memory_space<vmem>>, vector<1x4224xf32>
    tpu.vector_store %arg4[%swap3A_51, %swap3A_52], %get3A_50 {strides = array<i32>} : memref<8x4224xf32, #tpu.memory_space<vmem>>, vector<1x4224xf32>,
    %get3A_54 = arith.constant 0 : index
    %get3A_55 = arith.constant 0 : index
    %get3A_56 = arith.constant 0 : index
    %get3A_57 = vector.load %arg2[%get3A_54, %get3A_55, %get3A_56] : memref<1x1x4352xf32, #tpu.memory_space<vmem>>, vector<1x1x4224xf32>
    %get3A_58 = vector.shape_cast %get3A_57 : vector<1x1x4224xf32> to vector<1x4224xf32>
    %swap3A_59 = arith.constant 7 : index
    %swap3A_60 = arith.constant 0 : index
    %swap3A_61 = vector.load %arg4[%swap3A_59, %swap3A_60] : memref<8x4224xf32, #tpu.memory_space<vmem>>, vector<1x4224xf32>
    tpu.vector_store %arg4[%swap3A_59, %swap3A_60], %get3A_58 {strides = array<i32>} : memref<8x4224xf32, #tpu.memory_space<vmem>>, vector<1x4224xf32>,
    %get3A_62 = arith.constant 0 : index
    %get3A_63 = arith.constant 127 : index
    %get3A_64 = vector.load %arg4[%get3A_62, %get3A_63] : memref<8x4224xf32, #tpu.memory_space<vmem>>, vector<8x4096xf32>
    %swap3A_65 = arith.constant 0 : index
    %swap3A_66 = arith.constant 0 : index
    %swap3A_67 = vector.load %arg5[%swap3A_65, %swap3A_66] : memref<128x4096xf32, #tpu.memory_space<vmem>>, vector<8x4096xf32>
    tpu.vector_store %arg5[%swap3A_65, %swap3A_66], %get3A_64 {strides = array<i32>} : memref<128x4096xf32, #tpu.memory_space<vmem>>, vector<8x4096xf32>,
    %get3A_68 = arith.constant 0 : index
    %get3A_69 = arith.constant 119 : index
    %get3A_70 = vector.load %arg4[%get3A_68, %get3A_69] : memref<8x4224xf32, #tpu.memory_space<vmem>>, vector<8x4096xf32>
    %swap3A_71 = arith.constant 8 : index
    %swap3A_72 = arith.constant 0 : index
    %swap3A_73 = vector.load %arg5[%swap3A_71, %swap3A_72] : memref<128x4096xf32, #tpu.memory_space<vmem>>, vector<8x4096xf32>
    tpu.vector_store %arg5[%swap3A_71, %swap3A_72], %get3A_70 {strides = array<i32>} : memref<128x4096xf32, #tpu.memory_space<vmem>>, vector<8x4096xf32>,
    %get3A_74 = arith.constant 0 : index
    %get3A_75 = arith.constant 111 : index
    %get3A_76 = vector.load %arg4[%get3A_74, %get3A_75] : memref<8x4224xf32, #tpu.memory_space<vmem>>, vector<8x4096xf32>
    %swap3A_77 = arith.constant 16 : index
    %swap3A_78 = arith.constant 0 : index
    %swap3A_79 = vector.load %arg5[%swap3A_77, %swap3A_78] : memref<128x4096xf32, #tpu.memory_space<vmem>>, vector<8x4096xf32>
    tpu.vector_store %arg5[%swap3A_77, %swap3A_78], %get3A_76 {strides = array<i32>} : memref<128x4096xf32, #tpu.memory_space<vmem>>, vector<8x4096xf32>,
    %get3A_80 = arith.constant 0 : index
    %get3A_81 = arith.constant 103 : index
    %get3A_82 = vector.load %arg4[%get3A_80, %get3A_81] : memref<8x4224xf32, #tpu.memory_space<vmem>>, vector<8x4096xf32>
    %swap3A_83 = arith.constant 24 : index
    %swap3A_84 = arith.constant 0 : index
    %swap3A_85 = vector.load %arg5[%swap3A_83, %swap3A_84] : memref<128x4096xf32, #tpu.memory_space<vmem>>, vector<8x4096xf32>
    tpu.vector_store %arg5[%swap3A_83, %swap3A_84], %get3A_82 {strides = array<i32>} : memref<128x4096xf32, #tpu.memory_space<vmem>>, vector<8x4096xf32>,
    %get3A_86 = arith.constant 0 : index
    %get3A_87 = arith.constant 95 : index
    %get3A_88 = vector.load %arg4[%get3A_86, %get3A_87] : memref<8x4224xf32, #tpu.memory_space<vmem>>, vector<8x4096xf32>
    %swap3A_89 = arith.constant 32 : index
    %swap3A_90 = arith.constant 0 : index
    %swap3A_91 = vector.load %arg5[%swap3A_89, %swap3A_90] : memref<128x4096xf32, #tpu.memory_space<vmem>>, vector<8x4096xf32>
    tpu.vector_store %arg5[%swap3A_89, %swap3A_90], %get3A_88 {strides = array<i32>} : memref<128x4096xf32, #tpu.memory_space<vmem>>, vector<8x4096xf32>,
    %get3A_92 = arith.constant 0 : index
    %get3A_93 = arith.constant 87 : index
    %get3A_94 = vector.load %arg4[%get3A_92, %get3A_93] : memref<8x4224xf32, #tpu.memory_space<vmem>>, vector<8x4096xf32>
    %swap3A_95 = arith.constant 40 : index
    %swap3A_96 = arith.constant 0 : index
    %swap3A_97 = vector.load %arg5[%swap3A_95, %swap3A_96] : memref<128x4096xf32, #tpu.memory_space<vmem>>, vector<8x4096xf32>
    tpu.vector_store %arg5[%swap3A_95, %swap3A_96], %get3A_94 {strides = array<i32>} : memref<128x4096xf32, #tpu.memory_space<vmem>>, vector<8x4096xf32>,
    %get3A_98 = arith.constant 0 : index
    %get3A_99 = arith.constant 79 : index
    %get3A_100 = vector.load %arg4[%get3A_98, %get3A_99] : memref<8x4224xf32, #tpu.memory_space<vmem>>, vector<8x4096xf32>
    %swap3A_101 = arith.constant 48 : index
    %swap3A_102 = arith.constant 0 : index
    %swap3A_103 = vector.load %arg5[%swap3A_101, %swap3A_102] : memref<128x4096xf32, #tpu.memory_space<vmem>>, vector<8x4096xf32>
    tpu.vector_store %arg5[%swap3A_101, %swap3A_102], %get3A_100 {strides = array<i32>} : memref<128x4096xf32, #tpu.memory_space<vmem>>, vector<8x4096xf32>,
    %get3A_104 = arith.constant 0 : index
    %get3A_105 = arith.constant 71 : index
    %get3A_106 = vector.load %arg4[%get3A_104, %get3A_105] : memref<8x4224xf32, #tpu.memory_space<vmem>>, vector<8x4096xf32>
    %swap3A_107 = arith.constant 56 : index
    %swap3A_108 = arith.constant 0 : index
    %swap3A_109 = vector.load %arg5[%swap3A_107, %swap3A_108] : memref<128x4096xf32, #tpu.memory_space<vmem>>, vector<8x4096xf32>
    tpu.vector_store %arg5[%swap3A_107, %swap3A_108], %get3A_106 {strides = array<i32>} : memref<128x4096xf32, #tpu.memory_space<vmem>>, vector<8x4096xf32>,
    %get3A_110 = arith.constant 0 : index
    %get3A_111 = arith.constant 63 : index
    %get3A_112 = vector.load %arg4[%get3A_110, %get3A_111] : memref<8x4224xf32, #tpu.memory_space<vmem>>, vector<8x4096xf32>
    %swap3A_113 = arith.constant 64 : index
    %swap3A_114 = arith.constant 0 : index
    %swap3A_115 = vector.load %arg5[%swap3A_113, %swap3A_114] : memref<128x4096xf32, #tpu.memory_space<vmem>>, vector<8x4096xf32>
    tpu.vector_store %arg5[%swap3A_113, %swap3A_114], %get3A_112 {strides = array<i32>} : memref<128x4096xf32, #tpu.memory_space<vmem>>, vector<8x4096xf32>,
    %get3A_116 = arith.constant 0 : index
    %get3A_117 = arith.constant 55 : index
    %get3A_118 = vector.load %arg4[%get3A_116, %get3A_117] : memref<8x4224xf32, #tpu.memory_space<vmem>>, vector<8x4096xf32>
    %swap3A_119 = arith.constant 72 : index
    %swap3A_120 = arith.constant 0 : index
    %swap3A_121 = vector.load %arg5[%swap3A_119, %swap3A_120] : memref<128x4096xf32, #tpu.memory_space<vmem>>, vector<8x4096xf32>
    tpu.vector_store %arg5[%swap3A_119, %swap3A_120], %get3A_118 {strides = array<i32>} : memref<128x4096xf32, #tpu.memory_space<vmem>>, vector<8x4096xf32>,
    %get3A_122 = arith.constant 0 : index
    %get3A_123 = arith.constant 47 : index
    %get3A_124 = vector.load %arg4[%get3A_122, %get3A_123] : memref<8x4224xf32, #tpu.memory_space<vmem>>, vector<8x4096xf32>
    %swap3A_125 = arith.constant 80 : index
    %swap3A_126 = arith.constant 0 : index
    %swap3A_127 = vector.load %arg5[%swap3A_125, %swap3A_126] : memref<128x4096xf32, #tpu.memory_space<vmem>>, vector<8x4096xf32>
    tpu.vector_store %arg5[%swap3A_125, %swap3A_126], %get3A_124 {strides = array<i32>} : memref<128x4096xf32, #tpu.memory_space<vmem>>, vector<8x4096xf32>,
    %get3A_128 = arith.constant 0 : index
    %get3A_129 = arith.constant 39 : index
    %get3A_130 = vector.load %arg4[%get3A_128, %get3A_129] : memref<8x4224xf32, #tpu.memory_space<vmem>>, vector<8x4096xf32>
    %swap3A_131 = arith.constant 88 : index
    %swap3A_132 = arith.constant 0 : index
    %swap3A_133 = vector.load %arg5[%swap3A_131, %swap3A_132] : memref<128x4096xf32, #tpu.memory_space<vmem>>, vector<8x4096xf32>
    tpu.vector_store %arg5[%swap3A_131, %swap3A_132], %get3A_130 {strides = array<i32>} : memref<128x4096xf32, #tpu.memory_space<vmem>>, vector<8x4096xf32>,
    %get3A_134 = arith.constant 0 : index
    %get3A_135 = arith.constant 31 : index
    %get3A_136 = vector.load %arg4[%get3A_134, %get3A_135] : memref<8x4224xf32, #tpu.memory_space<vmem>>, vector<8x4096xf32>
    %swap3A_137 = arith.constant 96 : index
    %swap3A_138 = arith.constant 0 : index
    %swap3A_139 = vector.load %arg5[%swap3A_137, %swap3A_138] : memref<128x4096xf32, #tpu.memory_space<vmem>>, vector<8x4096xf32>
    tpu.vector_store %arg5[%swap3A_137, %swap3A_138], %get3A_136 {strides = array<i32>} : memref<128x4096xf32, #tpu.memory_space<vmem>>, vector<8x4096xf32>,
    %get3A_140 = arith.constant 0 : index
    %get3A_141 = arith.constant 23 : index
    %get3A_142 = vector.load %arg4[%get3A_140, %get3A_141] : memref<8x4224xf32, #tpu.memory_space<vmem>>, vector<8x4096xf32>
    %swap3A_143 = arith.constant 104 : index
    %swap3A_144 = arith.constant 0 : index
    %swap3A_145 = vector.load %arg5[%swap3A_143, %swap3A_144] : memref<128x4096xf32, #tpu.memory_space<vmem>>, vector<8x4096xf32>
    tpu.vector_store %arg5[%swap3A_143, %swap3A_144], %get3A_142 {strides = array<i32>} : memref<128x4096xf32, #tpu.memory_space<vmem>>, vector<8x4096xf32>,
    %get3A_146 = arith.constant 0 : index
    %get3A_147 = arith.constant 15 : index
    %get3A_148 = vector.load %arg4[%get3A_146, %get3A_147] : memref<8x4224xf32, #tpu.memory_space<vmem>>, vector<8x4096xf32>
    %swap3A_149 = arith.constant 112 : index
    %swap3A_150 = arith.constant 0 : index
    %swap3A_151 = vector.load %arg5[%swap3A_149, %swap3A_150] : memref<128x4096xf32, #tpu.memory_space<vmem>>, vector<8x4096xf32>
    tpu.vector_store %arg5[%swap3A_149, %swap3A_150], %get3A_148 {strides = array<i32>} : memref<128x4096xf32, #tpu.memory_space<vmem>>, vector<8x4096xf32>,
    %get3A_152 = arith.constant 0 : index
    %get3A_153 = arith.constant 7 : index
    %get3A_154 = vector.load %arg4[%get3A_152, %get3A_153] : memref<8x4224xf32, #tpu.memory_space<vmem>>, vector<8x4096xf32>
    %swap3A_155 = arith.constant 120 : index
    %swap3A_156 = arith.constant 0 : index
    %swap3A_157 = vector.load %arg5[%swap3A_155, %swap3A_156] : memref<128x4096xf32, #tpu.memory_space<vmem>>, vector<8x4096xf32>
    tpu.vector_store %arg5[%swap3A_155, %swap3A_156], %get3A_154 {strides = array<i32>} : memref<128x4096xf32, #tpu.memory_space<vmem>>, vector<8x4096xf32>,
    %eq3A = arith.constant 0 : i32
    %eq3A_158 = arith.cmpi eq, %arg1, %eq3A : i32
    %convert_element_type3A = arith.extui %eq3A_158 : i1 to i32
    %cond3A = arith.constant 0 : i32
    %cond3A_159 = arith.cmpi ne, %convert_element_type3A, %cond3A : i32
    scf.if %cond3A_159 {
      %get3A_165 = arith.constant 0 : index
      %get3A_166 = arith.constant 1920 : index
      %get3A_167 = vector.load %arg5[%get3A_165, %get3A_166] : memref<128x4096xf32, #tpu.memory_space<vmem>>, vector<128x2048xf32>
      %swap3A_168 = arith.constant 0 : index
      %swap3A_169 = arith.constant 0 : index
      %swap3A_170 = arith.constant 0 : index
      %swap3A_171 = vector.load %arg3[%swap3A_168, %swap3A_169, %swap3A_170] : memref<1x1024x2048xf32, #tpu.memory_space<vmem>>, vector<1x128x2048xf32>
      %swap3A_172 = vector.shape_cast %swap3A_171 : vector<1x128x2048xf32> to vector<128x2048xf32>
      %swap3A_173 = vector.shape_cast %get3A_167 : vector<128x2048xf32> to vector<1x128x2048xf32>
      tpu.vector_store %arg3[%swap3A_168, %swap3A_169, %swap3A_170], %swap3A_173 {strides = array<i32>} : memref<1x1024x2048xf32, #tpu.memory_space<vmem>>, vector<1x128x2048xf32>,
      %get3A_174 = arith.constant 0 : index
      %get3A_175 = arith.constant 1792 : index
      %get3A_176 = vector.load %arg5[%get3A_174, %get3A_175] : memref<128x4096xf32, #tpu.memory_space<vmem>>, vector<128x2048xf32>
      %swap3A_177 = arith.constant 0 : index
      %swap3A_178 = arith.constant 128 : index
      %swap3A_179 = arith.constant 0 : index
      %swap3A_180 = vector.load %arg3[%swap3A_177, %swap3A_178, %swap3A_179] : memref<1x1024x2048xf32, #tpu.memory_space<vmem>>, vector<1x128x2048xf32>
      %swap3A_181 = vector.shape_cast %swap3A_180 : vector<1x128x2048xf32> to vector<128x2048xf32>
      %swap3A_182 = vector.shape_cast %get3A_176 : vector<128x2048xf32> to vector<1x128x2048xf32>
      tpu.vector_store %arg3[%swap3A_177, %swap3A_178, %swap3A_179], %swap3A_182 {strides = array<i32>} : memref<1x1024x2048xf32, #tpu.memory_space<vmem>>, vector<1x128x2048xf32>,
      %get3A_183 = arith.constant 0 : index
      %get3A_184 = arith.constant 1664 : index
      %get3A_185 = vector.load %arg5[%get3A_183, %get3A_184] : memref<128x4096xf32, #tpu.memory_space<vmem>>, vector<128x2048xf32>
      %swap3A_186 = arith.constant 0 : index
      %swap3A_187 = arith.constant 256 : index
      %swap3A_188 = arith.constant 0 : index
      %swap3A_189 = vector.load %arg3[%swap3A_186, %swap3A_187, %swap3A_188] : memref<1x1024x2048xf32, #tpu.memory_space<vmem>>, vector<1x128x2048xf32>
      %swap3A_190 = vector.shape_cast %swap3A_189 : vector<1x128x2048xf32> to vector<128x2048xf32>
      %swap3A_191 = vector.shape_cast %get3A_185 : vector<128x2048xf32> to vector<1x128x2048xf32>
      tpu.vector_store %arg3[%swap3A_186, %swap3A_187, %swap3A_188], %swap3A_191 {strides = array<i32>} : memref<1x1024x2048xf32, #tpu.memory_space<vmem>>, vector<1x128x2048xf32>,
      %get3A_192 = arith.constant 0 : index
      %get3A_193 = arith.constant 1536 : index
      %get3A_194 = vector.load %arg5[%get3A_192, %get3A_193] : memref<128x4096xf32, #tpu.memory_space<vmem>>, vector<128x2048xf32>
      %swap3A_195 = arith.constant 0 : index
      %swap3A_196 = arith.constant 384 : index
      %swap3A_197 = arith.constant 0 : index
      %swap3A_198 = vector.load %arg3[%swap3A_195, %swap3A_196, %swap3A_197] : memref<1x1024x2048xf32, #tpu.memory_space<vmem>>, vector<1x128x2048xf32>
      %swap3A_199 = vector.shape_cast %swap3A_198 : vector<1x128x2048xf32> to vector<128x2048xf32>
      %swap3A_200 = vector.shape_cast %get3A_194 : vector<128x2048xf32> to vector<1x128x2048xf32>
      tpu.vector_store %arg3[%swap3A_195, %swap3A_196, %swap3A_197], %swap3A_200 {strides = array<i32>} : memref<1x1024x2048xf32, #tpu.memory_space<vmem>>, vector<1x128x2048xf32>,
      %get3A_201 = arith.constant 0 : index
      %get3A_202 = arith.constant 1408 : index
      %get3A_203 = vector.load %arg5[%get3A_201, %get3A_202] : memref<128x4096xf32, #tpu.memory_space<vmem>>, vector<128x2048xf32>
      %swap3A_204 = arith.constant 0 : index
      %swap3A_205 = arith.constant 512 : index
      %swap3A_206 = arith.constant 0 : index
      %swap3A_207 = vector.load %arg3[%swap3A_204, %swap3A_205, %swap3A_206] : memref<1x1024x2048xf32, #tpu.memory_space<vmem>>, vector<1x128x2048xf32>
      %swap3A_208 = vector.shape_cast %swap3A_207 : vector<1x128x2048xf32> to vector<128x2048xf32>
      %swap3A_209 = vector.shape_cast %get3A_203 : vector<128x2048xf32> to vector<1x128x2048xf32>
      tpu.vector_store %arg3[%swap3A_204, %swap3A_205, %swap3A_206], %swap3A_209 {strides = array<i32>} : memref<1x1024x2048xf32, #tpu.memory_space<vmem>>, vector<1x128x2048xf32>,
      %get3A_210 = arith.constant 0 : index
      %get3A_211 = arith.constant 1280 : index
      %get3A_212 = vector.load %arg5[%get3A_210, %get3A_211] : memref<128x4096xf32, #tpu.memory_space<vmem>>, vector<128x2048xf32>
      %swap3A_213 = arith.constant 0 : index
      %swap3A_214 = arith.constant 640 : index
      %swap3A_215 = arith.constant 0 : index
      %swap3A_216 = vector.load %arg3[%swap3A_213, %swap3A_214, %swap3A_215] : memref<1x1024x2048xf32, #tpu.memory_space<vmem>>, vector<1x128x2048xf32>
      %swap3A_217 = vector.shape_cast %swap3A_216 : vector<1x128x2048xf32> to vector<128x2048xf32>
      %swap3A_218 = vector.shape_cast %get3A_212 : vector<128x2048xf32> to vector<1x128x2048xf32>
      tpu.vector_store %arg3[%swap3A_213, %swap3A_214, %swap3A_215], %swap3A_218 {strides = array<i32>} : memref<1x1024x2048xf32, #tpu.memory_space<vmem>>, vector<1x128x2048xf32>,
      %get3A_219 = arith.constant 0 : index
      %get3A_220 = arith.constant 1152 : index
      %get3A_221 = vector.load %arg5[%get3A_219, %get3A_220] : memref<128x4096xf32, #tpu.memory_space<vmem>>, vector<128x2048xf32>
      %swap3A_222 = arith.constant 0 : index
      %swap3A_223 = arith.constant 768 : index
      %swap3A_224 = arith.constant 0 : index
      %swap3A_225 = vector.load %arg3[%swap3A_222, %swap3A_223, %swap3A_224] : memref<1x1024x2048xf32, #tpu.memory_space<vmem>>, vector<1x128x2048xf32>
      %swap3A_226 = vector.shape_cast %swap3A_225 : vector<1x128x2048xf32> to vector<128x2048xf32>
      %swap3A_227 = vector.shape_cast %get3A_221 : vector<128x2048xf32> to vector<1x128x2048xf32>
      tpu.vector_store %arg3[%swap3A_222, %swap3A_223, %swap3A_224], %swap3A_227 {strides = array<i32>} : memref<1x1024x2048xf32, #tpu.memory_space<vmem>>, vector<1x128x2048xf32>,
      %get3A_228 = arith.constant 0 : index
      %get3A_229 = arith.constant 1024 : index
      %get3A_230 = vector.load %arg5[%get3A_228, %get3A_229] : memref<128x4096xf32, #tpu.memory_space<vmem>>, vector<128x2048xf32>
      %swap3A_231 = arith.constant 0 : index
      %swap3A_232 = arith.constant 896 : index
      %swap3A_233 = arith.constant 0 : index
      %swap3A_234 = vector.load %arg3[%swap3A_231, %swap3A_232, %swap3A_233] : memref<1x1024x2048xf32, #tpu.memory_space<vmem>>, vector<1x128x2048xf32>
      %swap3A_235 = vector.shape_cast %swap3A_234 : vector<1x128x2048xf32> to vector<128x2048xf32>
      %swap3A_236 = vector.shape_cast %get3A_230 : vector<128x2048xf32> to vector<1x128x2048xf32>
      tpu.vector_store %arg3[%swap3A_231, %swap3A_232, %swap3A_233], %swap3A_236 {strides = array<i32>} : memref<1x1024x2048xf32, #tpu.memory_space<vmem>>, vector<1x128x2048xf32>,
    } else {
    }
    %eq3A_160 = arith.constant 1 : i32
    %eq3A_161 = arith.cmpi eq, %arg1, %eq3A_160 : i32
    %convert_element_type3A_162 = arith.extui %eq3A_161 : i1 to i32
    %cond3A_163 = arith.constant 0 : i32
    %cond3A_164 = arith.cmpi ne, %convert_element_type3A_162, %cond3A_163 : i32
    scf.if %cond3A_164 {
      %get3A_165 = arith.constant 0 : index
      %get3A_166 = arith.constant 896 : index
      %get3A_167 = vector.load %arg5[%get3A_165, %get3A_166] : memref<128x4096xf32, #tpu.memory_space<vmem>>, vector<128x2048xf32>
      %swap3A_168 = arith.constant 0 : index
      %swap3A_169 = arith.constant 0 : index
      %swap3A_170 = arith.constant 0 : index
      %swap3A_171 = vector.load %arg3[%swap3A_168, %swap3A_169, %swap3A_170] : memref<1x1024x2048xf32, #tpu.memory_space<vmem>>, vector<1x128x2048xf32>
      %swap3A_172 = vector.shape_cast %swap3A_171 : vector<1x128x2048xf32> to vector<128x2048xf32>
      %swap3A_173 = vector.shape_cast %get3A_167 : vector<128x2048xf32> to vector<1x128x2048xf32>
      tpu.vector_store %arg3[%swap3A_168, %swap3A_169, %swap3A_170], %swap3A_173 {strides = array<i32>} : memref<1x1024x2048xf32, #tpu.memory_space<vmem>>, vector<1x128x2048xf32>,
      %get3A_174 = arith.constant 0 : index
      %get3A_175 = arith.constant 768 : index
      %get3A_176 = vector.load %arg5[%get3A_174, %get3A_175] : memref<128x4096xf32, #tpu.memory_space<vmem>>, vector<128x2048xf32>
      %swap3A_177 = arith.constant 0 : index
      %swap3A_178 = arith.constant 128 : index
      %swap3A_179 = arith.constant 0 : index
      %swap3A_180 = vector.load %arg3[%swap3A_177, %swap3A_178, %swap3A_179] : memref<1x1024x2048xf32, #tpu.memory_space<vmem>>, vector<1x128x2048xf32>
      %swap3A_181 = vector.shape_cast %swap3A_180 : vector<1x128x2048xf32> to vector<128x2048xf32>
      %swap3A_182 = vector.shape_cast %get3A_176 : vector<128x2048xf32> to vector<1x128x2048xf32>
      tpu.vector_store %arg3[%swap3A_177, %swap3A_178, %swap3A_179], %swap3A_182 {strides = array<i32>} : memref<1x1024x2048xf32, #tpu.memory_space<vmem>>, vector<1x128x2048xf32>,
      %get3A_183 = arith.constant 0 : index
      %get3A_184 = arith.constant 640 : index
      %get3A_185 = vector.load %arg5[%get3A_183, %get3A_184] : memref<128x4096xf32, #tpu.memory_space<vmem>>, vector<128x2048xf32>
      %swap3A_186 = arith.constant 0 : index
      %swap3A_187 = arith.constant 256 : index
      %swap3A_188 = arith.constant 0 : index
      %swap3A_189 = vector.load %arg3[%swap3A_186, %swap3A_187, %swap3A_188] : memref<1x1024x2048xf32, #tpu.memory_space<vmem>>, vector<1x128x2048xf32>
      %swap3A_190 = vector.shape_cast %swap3A_189 : vector<1x128x2048xf32> to vector<128x2048xf32>
      %swap3A_191 = vector.shape_cast %get3A_185 : vector<128x2048xf32> to vector<1x128x2048xf32>
      tpu.vector_store %arg3[%swap3A_186, %swap3A_187, %swap3A_188], %swap3A_191 {strides = array<i32>} : memref<1x1024x2048xf32, #tpu.memory_space<vmem>>, vector<1x128x2048xf32>,
      %get3A_192 = arith.constant 0 : index
      %get3A_193 = arith.constant 512 : index
      %get3A_194 = vector.load %arg5[%get3A_192, %get3A_193] : memref<128x4096xf32, #tpu.memory_space<vmem>>, vector<128x2048xf32>
      %swap3A_195 = arith.constant 0 : index
      %swap3A_196 = arith.constant 384 : index
      %swap3A_197 = arith.constant 0 : index
      %swap3A_198 = vector.load %arg3[%swap3A_195, %swap3A_196, %swap3A_197] : memref<1x1024x2048xf32, #tpu.memory_space<vmem>>, vector<1x128x2048xf32>
      %swap3A_199 = vector.shape_cast %swap3A_198 : vector<1x128x2048xf32> to vector<128x2048xf32>
      %swap3A_200 = vector.shape_cast %get3A_194 : vector<128x2048xf32> to vector<1x128x2048xf32>
      tpu.vector_store %arg3[%swap3A_195, %swap3A_196, %swap3A_197], %swap3A_200 {strides = array<i32>} : memref<1x1024x2048xf32, #tpu.memory_space<vmem>>, vector<1x128x2048xf32>,
      %get3A_201 = arith.constant 0 : index
      %get3A_202 = arith.constant 384 : index
      %get3A_203 = vector.load %arg5[%get3A_201, %get3A_202] : memref<128x4096xf32, #tpu.memory_space<vmem>>, vector<128x2048xf32>
      %swap3A_204 = arith.constant 0 : index
      %swap3A_205 = arith.constant 512 : index
      %swap3A_206 = arith.constant 0 : index
      %swap3A_207 = vector.load %arg3[%swap3A_204, %swap3A_205, %swap3A_206] : memref<1x1024x2048xf32, #tpu.memory_space<vmem>>, vector<1x128x2048xf32>
      %swap3A_208 = vector.shape_cast %swap3A_207 : vector<1x128x2048xf32> to vector<128x2048xf32>
      %swap3A_209 = vector.shape_cast %get3A_203 : vector<128x2048xf32> to vector<1x128x2048xf32>
      tpu.vector_store %arg3[%swap3A_204, %swap3A_205, %swap3A_206], %swap3A_209 {strides = array<i32>} : memref<1x1024x2048xf32, #tpu.memory_space<vmem>>, vector<1x128x2048xf32>,
      %get3A_210 = arith.constant 0 : index
      %get3A_211 = arith.constant 256 : index
      %get3A_212 = vector.load %arg5[%get3A_210, %get3A_211] : memref<128x4096xf32, #tpu.memory_space<vmem>>, vector<128x2048xf32>
      %swap3A_213 = arith.constant 0 : index
      %swap3A_214 = arith.constant 640 : index
      %swap3A_215 = arith.constant 0 : index
      %swap3A_216 = vector.load %arg3[%swap3A_213, %swap3A_214, %swap3A_215] : memref<1x1024x2048xf32, #tpu.memory_space<vmem>>, vector<1x128x2048xf32>
      %swap3A_217 = vector.shape_cast %swap3A_216 : vector<1x128x2048xf32> to vector<128x2048xf32>
      %swap3A_218 = vector.shape_cast %get3A_212 : vector<128x2048xf32> to vector<1x128x2048xf32>
      tpu.vector_store %arg3[%swap3A_213, %swap3A_214, %swap3A_215], %swap3A_218 {strides = array<i32>} : memref<1x1024x2048xf32, #tpu.memory_space<vmem>>, vector<1x128x2048xf32>,
      %get3A_219 = arith.constant 0 : index
      %get3A_220 = arith.constant 128 : index
      %get3A_221 = vector.load %arg5[%get3A_219, %get3A_220] : memref<128x4096xf32, #tpu.memory_space<vmem>>, vector<128x2048xf32>
      %swap3A_222 = arith.constant 0 : index
      %swap3A_223 = arith.constant 768 : index
      %swap3A_224 = arith.constant 0 : index
      %swap3A_225 = vector.load %arg3[%swap3A_222, %swap3A_223, %swap3A_224] : memref<1x1024x2048xf32, #tpu.memory_space<vmem>>, vector<1x128x2048xf32>
      %swap3A_226 = vector.shape_cast %swap3A_225 : vector<1x128x2048xf32> to vector<128x2048xf32>
      %swap3A_227 = vector.shape_cast %get3A_221 : vector<128x2048xf32> to vector<1x128x2048xf32>
      tpu.vector_store %arg3[%swap3A_222, %swap3A_223, %swap3A_224], %swap3A_227 {strides = array<i32>} : memref<1x1024x2048xf32, #tpu.memory_space<vmem>>, vector<1x128x2048xf32>,
      %get3A_228 = arith.constant 0 : index
      %get3A_229 = arith.constant 0 : index
      %get3A_230 = vector.load %arg5[%get3A_228, %get3A_229] : memref<128x4096xf32, #tpu.memory_space<vmem>>, vector<128x2048xf32>
      %swap3A_231 = arith.constant 0 : index
      %swap3A_232 = arith.constant 896 : index
      %swap3A_233 = arith.constant 0 : index
      %swap3A_234 = vector.load %arg3[%swap3A_231, %swap3A_232, %swap3A_233] : memref<1x1024x2048xf32, #tpu.memory_space<vmem>>, vector<1x128x2048xf32>
      %swap3A_235 = vector.shape_cast %swap3A_234 : vector<1x128x2048xf32> to vector<128x2048xf32>
      %swap3A_236 = vector.shape_cast %get3A_230 : vector<128x2048xf32> to vector<1x128x2048xf32>
      tpu.vector_store %arg3[%swap3A_231, %swap3A_232, %swap3A_233], %swap3A_236 {strides = array<i32>} : memref<1x1024x2048xf32, #tpu.memory_space<vmem>>, vector<1x128x2048xf32>,
    } else {
    }
    return
  }
  func.func @transform_0(%arg0: i32, %arg1: i32) -> (i32, i32, i32) {
    %c0_i32 = arith.constant 0 : i32
    %c0_i32_0 = arith.constant 0 : i32
    %c0_i32_1 = arith.constant 0 : i32
    return %arg0, %c0_i32, %c0_i32_0 : i32, i32, i32
  }
  func.func @transform_1(%arg0: i32, %arg1: i32) -> (i32, i32, i32) {
    %c0_i32 = arith.constant 0 : i32
    %c0_i32_0 = arith.constant 0 : i32
    return %arg0, %arg1, %c0_i32 : i32, i32, i32
  }
}

</mosaic_0001>

<sc_bundles>
// kernel: kernel.4.cloned.1.call-start
scs
__scs_entry_jumppad:
0x0: {  	(pc) =	sbr.rel $0x88, $3  }
0x1: {  	(tag) =	ssettag $0x0;
	lr =	simm.s32 $0x1  }
0x2: {  	[smem:$0x3F9E] =	sst lr;
	_ =	strace $0xD0000000  }
0x3: {  	_ = 	snop  }
0x4: {  	_ = 	snop  }
0x5: {  	_ = 	snop  }
0x6: {  	_ = 	snop  }
0x7: {  	_ = 	snop  }
__scs_overlays_trampoline_lowered:
0x8: {  	[smem:$0x3FAD] =	sst s0  }
0x9: {  	[smem:$0x3FAE] =	sst s1  }
0xa: {  	[smem:$0x3FAF] =	sst s2  }
0xb: {  	[smem:$0x3FB0] =	sst s3  }
0xc: {  	[smem:$0x3FB1] =	sst s4  }
0xd: {  	[smem:$0x3FB2] =	sst s5  }
0xe: {  	[smem:$0x3FB3] =	sst s6  }
0xf: {  	[smem:$0x3FB4] =	sst s7  }
0x10: {  	[smem:$0x3FB5] =	sst s8  }
0x11: {  	[smem:$0x3FB6] =	sst s9;
	s0 =	simm.s32 @!p0 $0x0  }
0x12: {  	s1 =	sld [smem:$0x3F9C];
	s0 =	simm.s32 @p0 $0x1  }
0x13: {  	[smem:$0x3FB7] =	sst s0;
	s0 =	simm.s32 @!p1 $0x0  }
0x14: {  	s2 =	sld [smem:$0x3F9B];
	s0 =	simm.s32 @p1 $0x1  }
0x15: {  	[smem:$0x3FB8] =	sst s0;
	s0 =	simm.s32 @!p2 $0x0  }
0x16: {  	s3 =	sld [smem:$0x3FDB];
	s0 =	simm.s32 @p2 $0x1  }
0x17: {  	s4 =	simm.s32 $0x1BF5;
	[smem:$0x3FBA] =	sst s0  }
0x18: {  	s0 =	sld [smem:$0x3F9D];
	_ =	swait.ge [sflag:s4], $0x0  }
0x19: {  	s7 =	sld [smem:$0x3F9E]  }
0x1a: {  	s8 =	sadd.s32 $0xFFFFE003, lr  }
0x1b: {  	s9 =	sadd.s32 $0xFFFFFEF7, lr;
	s5 =	simm.s32 $0xFFFFFFFF;
	p2 =	slt.u32 s8, $0xFFFFF086  }
0x1c: {  	p1 =	slt.u32 s9, $0xF7A;
	s5 =	simm.s32 @!p2 $0x0  }
0x1d: {  	s5 =	simm.s32 @p1 $0x1;
	p0 =	seq.s32 s7, s2  }
0x1e: {  	s7 =	smul.u32 @!p0 $0xF7A, s2;
	p2 =	seq.s32 @!p0 s5, $0x0  }
0x1f: {  	s9 =	smul.u32 $0xF7A, s1;
	s8 =	simm.s32 @!p0 $0x1BF5;
	p2 =	por !p2, p0  }
0x20: {  	[sflag:s8] =	ssyncset.s32 @!p0 $0xFFFFF086;
	s6 =	sadd.s32 @!p0 s3, s7;
	s7 =	simm.s32 @!p0 $0x108  }
0x21: {  	s3 =	sadd.s32 s3, s9;
	s6 =	sadd.s32 @!p0 $0x88, s6;
	s7 =	simm.s32 @p2 $0x1082  }
0x22: {  	[simem:s7], [sflag:s8] =	dma.local @!p0 [hbm:s6], $0xF7A  }
0x23: {  	s9 =	sor.u32 $0xD0000000, s2;
	s6 =	simm.s32 $0x108;
	_ =	swait.ge @!p0 [sflag:s8], $0x0  }
0x24: {  	s3 =	sadd.s32 $0x88, s3;
	s6 =	simm.s32 @!p1 $0x1082;
	[sflag:s4] =	ssyncset.s32 $0xFFFFF086  }
0x25: {  	[simem:s6], [sflag:s4] =	dma.local [hbm:s3], $0xF7A  }
0x26: {  	[smem:$0x3F9E] =	sst s1;
	(tag) =	ssettag s2;
	_ =	strace s9  }
0x27: {  	s1 =	sld [smem:$0x3FAE]  }
0x28: {  	s2 =	sld [smem:$0x3FAF]  }
0x29: {  	s4 =	sld [smem:$0x3FB1]  }
0x2a: {  	p0 =	seq.s32 s5, $0x0;
	s5 =	sld [smem:$0x3FB2]  }
0x2b: {  	s6 =	sld [smem:$0x3FB3]  }
0x2c: {  	s7 =	sld [smem:$0x3FB4]  }
0x2d: {  	s3 =	simm.s32 $0x108;
	s8 =	sld [smem:$0x3FB5]  }
0x2e: {  	s3 =	simm.s32 @!p0 $0x1082;
	s9 =	sld [smem:$0x3FB6]  }
0x2f: {  	lr =	sadd.s32 s0, s3;
	s0 =	sld [smem:$0x3FAD]  }
0x30: {  	s3 =	sld [smem:$0x3FB0]  }
0x31: {  	[smem:$0x3FB9] =	sst s10  }
0x32: {  	s10 =	sld [smem:$0x3FB7];
	_ =	sdelay $0x3  }
0x33: {  	p0 =	seq.s32 s10, $0x1;
	s10 =	sld [smem:$0x3FB9];
	_ =	sdelay $0x3  }
0x34: {  	[smem:$0x3FB9] =	sst s10  }
0x35: {  	s10 =	sld [smem:$0x3FB8];
	_ =	sdelay $0x3  }
0x36: {  	p1 =	seq.s32 s10, $0x1;
	s10 =	sld [smem:$0x3FB9];
	_ =	sdelay $0x3  }
0x37: {  	[smem:$0x3FB9] =	sst s10  }
0x38: {  	s10 =	sld [smem:$0x3FBA]  }
0x39: {  	_ = 	snop;
	(pc) =	sbr.ind lr, $3  }
0x3a: {  	_ = 	snop  }
0x3b: {  	_ = 	snop  }
0x3c: {  	p2 =	seq.s32 s10, $0x1;
	s10 =	sld [smem:$0x3FB9]  }
0x3d: {  	_ =	shalt  }
0x3e: {  	_ =	shalt  }
0x3f: {  	_ =	shalt  }
0x40: {  	_ =	shalt  }
0x41: {  	_ =	shalt  }
0x42: {  	_ =	shalt  }
0x43: {  	_ =	shalt  }
0x44: {  	_ =	shalt  }
0x45: {  	_ =	shalt  }
0x46: {  	_ =	shalt  }
0x47: {  	_ =	shalt  }
0x48: {  	_ =	shalt  }
0x49: {  	_ =	shalt  }
0x4a: {  	_ =	shalt  }
0x4b: {  	_ =	shalt  }
0x4c: {  	_ =	shalt  }
0x4d: {  	_ =	shalt  }
0x4e: {  	_ =	shalt  }
0x4f: {  	_ =	shalt  }
0x50: {  	_ =	shalt  }
0x51: {  	_ =	shalt  }
0x52: {  	_ =	shalt  }
0x53: {  	_ =	shalt  }
0x54: {  	_ =	shalt  }
0x55: {  	_ =	shalt  }
0x56: {  	_ =	shalt  }
0x57: {  	_ =	shalt  }
0x58: {  	_ =	shalt  }
0x59: {  	_ =	shalt  }
0x5a: {  	_ =	shalt  }
0x5b: {  	_ =	shalt  }
0x5c: {  	_ =	shalt  }
0x5d: {  	_ =	shalt  }
0x5e: {  	_ =	shalt  }
0x5f: {  	_ =	shalt  }
0x60: {  	_ =	shalt  }
0x61: {  	_ =	shalt  }
0x62: {  	_ =	shalt  }
0x63: {  	_ =	shalt  }
0x64: {  	_ =	shalt  }
0x65: {  	_ =	shalt  }
0x66: {  	_ =	shalt  }
0x67: {  	_ =	shalt  }
0x68: {  	_ =	shalt  }
0x69: {  	_ =	shalt  }
0x6a: {  	_ =	shalt  }
0x6b: {  	_ =	shalt  }
0x6c: {  	_ =	shalt  }
0x6d: {  	_ =	shalt  }
0x6e: {  	_ =	shalt  }
0x6f: {  	_ =	shalt  }
0x70: {  	_ =	shalt  }
0x71: {  	_ =	shalt  }
0x72: {  	_ =	shalt  }
0x73: {  	_ =	shalt  }
0x74: {  	_ =	shalt  }
0x75: {  	_ =	shalt  }
0x76: {  	_ =	shalt  }
0x77: {  	_ =	shalt  }
0x78: {  	_ =	shalt  }
0x79: {  	_ =	shalt  }
0x7a: {  	_ =	shalt  }
0x7b: {  	_ =	shalt  }
0x7c: {  	_ =	shalt  }
0x7d: {  	_ =	shalt  }
0x7e: {  	_ =	shalt  }
0x7f: {  	_ =	shalt  }
0x80: {  	_ =	shalt  }
0x81: {  	_ =	shalt  }
0x82: {  	_ =	shalt  }
0x83: {  	_ =	shalt  }
0x84: {  	_ =	shalt  }
0x85: {  	_ =	shalt  }
0x86: {  	_ =	shalt  }
0x87: {  	_ =	shalt  }
.Lfunc_end0:
.L_simem_size_0:
called_computation_lowered:
.L_overlay_start_0:
0x88: {  	s2 =	sld [smem:$0x3FD9]  }
0x89: {  	s3 =	sld [smem:$0x3FFE];
	_ =	sdelay $0x1  }
0x8a: {  	s1 =	srdreg.scid  }
0x8b: {  	s0 =	sand.u32 $0x1, s1  }
0x8c: {  	s17 =	sshll.u32 s0, $0xA;
	s2 =	sadd.s32 s3, s2  }
0x8d: {  	s2 =	sadd.s32 s2, s17  }
0x8e: {  	[smem:$0x3FC5] =	sst s2  }
0x8f: {  	_ = 	snop  }
0x90: {  	s2 =	sld [smem:$0x3FD0];
	(tm) =	ssettm $0x1  }
0x91: {  	s18 =	sld [smem:$0x3FFB];
	_ =	sdelay $0x3  }
0x92: {  	_ =	strace s18  }
0x93: {  	s3 =	sld [smem:$0x3FFC];
	_ =	sdelay $0x3  }
0x94: {  	_ =	strace s3  }
0x95: {  	s3 =	sld [smem:$0x3FFD];
	_ =	sdelay $0x3  }
0x96: {  	_ =	strace s3  }
0x97: {  	_ =	strace $0x8FFFFFFF  }
0x98: {  	s19 =	sld [smem:$0x3FDB];
	_ =	sdelay $0x1  }
0x99: {  	s4 =	simm.s32 $_scs_section_size  }
0x9a: {  	s5 =	simm.s32 $_size__tile_overlayer_lowered;
	s6 =	simm.s32 $_tile_overlayer_lowered  }
0x9b: {  	s22 =	simm.s32 $0x1BFF;
	s21 =	sshll.u32 s6, $0x1;
	s3 =	sadd.s32 s4, s19  }
0x9c: {  	s7 =	simm.s32 $0x0;
	s20 =	sshll.u32 s5, $0x1;
	s5 =	sadd.s32 s21, s3  }
0x9d: {  	[timem:s7], [sflag:s22] =	dma.local [hbm:s5], s20  }
0x9e: {  	_ =	swait.ge [sflag:s22], s20  }
0x9f: {  	s4 =	ssub.s32 $0x0, s20;
	[sflag:s22] =	ssyncset.done $0x0  }
0xa0: {  	[sflag:s22] =	ssyncadd.s32 s4;
	_ =	sdelay $0x1  }
0xa1: {  	s23 =	simm.s32 $0x1B8B  }
0xa2: {  	_ =	swait.ge [sflag:s23], $0x1  }
0xa3: {  	[sflag:s23] =	ssyncset.done $0x0  }
0xa4: {  	s25 =	simm.s32 $0x1B8E;
	s24 =	sld [smem:$0x3FFE];
	[sflag:s23] =	ssyncadd.s32 $0xFFFFFFFF  }
0xa5: {  	s26 =	simm.s32 $execute0_lowered;
	[smem:$0x3FD2] =	sst s25  }
0xa6: {  	s5 =	sshll.u32 s26, $0x1;
	_ =	strace $0x80000046;
	[dreg:$0x1] =	wrdreg $0xFFFFFFFF  }
0xa7: {  	s28 =	simm.s32 $_size_execute0_lowered;
	s3 =	sadd.s32 s3, s5;
	[dreg:$0x0] =	wrdreg $0x0  }
0xa8: {  	s5 =	sshll.u32 s28, $0x1;
	[dreg:$0x2] =	wrdreg s3  }
0xa9: {  	[dreg:$0x3] =	wrdreg s5  }
0xaa: {  	[dreg:$0x4] =	wrdreg $0xC0  }
0xab: {  	_ =	task [dreg:s7], $0x5FFFF  }
0xac: {  	[dreg:$0x1] =	wrdreg $0xFFFFFFFF  }
0xad: {  	[dreg:$0x0] =	wrdreg $0x60  }
0xae: {  	[dreg:$0x2] =	wrdreg s24  }
0xaf: {  	[dreg:$0x3] =	wrdreg s2  }
0xb0: {  	[dreg:$0x4] =	wrdreg $0x9  }
0xb1: {  	_ =	task.clear_ibuf [dreg:s7], $0x5FFFF;
	_ =	strace $0x90000046  }
0xb2: {  	s29 =	simm.s32 $0x9;
	_ =	strace $0x80000048  }
0xb3: {  	_ =	swait.ge [sflag:s29], $0x1  }
0xb4: {  	[sflag:s29] =	ssyncadd.s32 $0xFFFFFFFF  }
0xb5: {  	_ =	strace $0x90000048  }
0xb6: {  	_ =	sfence  }
0xb7: {  	s30 =	sld [smem:$0x0];
	_ =	sdelay $0x2  }
0xb8: {  	s31 =	sshll.u32 s1, $0xD;
	s1 =	sshrl.u32 s1, $0x2  }
0xb9: {  	s3 =	sand.u32 $0x4000, s31;
	s1 =	sadd.s32 s1, s30  }
0xba: {  	s0 =	sor.u32 s3, s0;
	s1 =	sshll.u32 s1, $0x11  }
0xbb: {  	s0 =	sor.u32 s1, s0  }
0xbc: {  	s0 =	sadd.s32 $0x8F2B, s0  }
0xbd: {  	[sflag:s0] =	ssyncadd.remote.s32 $0x1  }
0xbe: {  	_ =	sfence.sel $0xFFFF  }
0xbf: {  	[dreg:$0x0] =	wrdreg $0xFFFFFFFF;
	(pc) =	sbr.abs _section_cstart, $3  }
0xc0: {  	[dreg:$0x1] =	wrdreg $0xFFFFFFFF  }
0xc1: {  	_ =	task.clear_ibuf [dreg:s7], $0x2FFFF;
	_ =	strace $0x9FFFFFFF  }
0xc2: {  	(tm) =	ssettm $0x7FFFFFFF  }
0xc3: {  	_ =	shalt  }
tec
execute0_lowered:
.L_overlay_start_1:
0x0: {  	(tag) =	ssettag $0x1  }
0x1: {  	s1 =	srdreg.scid  }
0x2: {  	s0 =	stileid.u32;
	s3 =	sand.u32 $0x1, s1  }
0x3: {  	s1 =	sor.u32 s3, s0  }
0x4: {  	p0 =	seq.s32 s3, $0x1;
	p1 =	seq.s32 s1, $0x0  }
0x5: {  	p1 =	por !p1, !p0  }
0x6: {  	s1 =	simm.s32 $0x1;
	p1 =	por !p1, !p1  }
0x7: {  	s4 =	rddreg [dreg:$0x0];
	s1 =	simm.s32 @!p1 $0x0  }
0x8: {  	s5 =	rddreg [dreg:$0x1];
	s6 =	ssub.s32 s0, s1  }
0x9: {  	s2 =	simm.s32 $0x0;
	s8 =	simm.s32 $0x880;
	s7 =	smul.u32 $0x420, s6  }
0xa: {  	[smem:$0x7FF] =	sst s2;
	s3 =	ssub.s32 $0x2, s3;
	s6 =	smul.u32 $0x1100, s6  }
0xb: {  	v0 =	vlaneseq.u32;
	s8 =	simm.s32 @!p0 $0x0;
	s31 =	sshrl.u32 s3, $0x1;
	s1 =	rddreg [dreg:$0x2]  }
0xc: {  	v0 =	vadd.s32 $0xFFFFF9FA, v0;
	_ =	strace $0x80000047;
	s7 =	sshrl.u32 s7, $0x3;
	s6 =	sadd.s32 s8, s6  }
0xd: {  	v0 =	vadd.s32 s8, v0;
	s8 =	simm.s32 $0x0;
	s4 =	sadd.s32 s7, s4;
	s7 =	ssub.s32 s3, s31  }
0xe: {  	s6 =	sshrl.u32 s6, $0x3;
	s3 =	simm.s32 $0x1;
	s4 =	sadd.s32 $0x600, s4  }
0xf: {  	s5 =	sadd.s32 s5, s6;
	s6 =	smax.u32 s7, $0x1;
	s7 =	simm.s32 $0x480  }
.LBB2_1:
0x10: {  	[tilespmem:s2], [sflag:$0x1] =	stream.linear.gather [hbm4b:s4+s2], $0x420, $0x38;
	[tilespmem:$0xD00] =	vst v63  }
0x11: {  	_ =	swait.ge [sflag:s3], $0x420  }
0x12: {  	[sflag:s3] =	ssyncset.done $0x0  }
0x13: {  	[sflag:s3] =	ssyncadd.s32 $0xFFFFFBE0  }
0x14: {  	v1 =	vld [tilespmem:$0x408];
	_ =	sdelay $0x4  }
0x15: {  	v1 =	vtrunc.f32 v1  }
0x16: {  	v1 =	vcvt.f32.s32 v1;
	_ =	sdelay $0x1  }
0x17: {  	s9 =	simm.s32 $0x0;
	v1 =	vadd.s32 v1, v0  }
0x18: {  	v2 =	vadd.s32 s9, v1  }
0x19: {  	vm0 =	vgt.s32 v2, $0x0  }
0x1a: {  	v2 =	vnsel vm0, $0x0, v2  }
0x1b: {  	v2 =	vmin.u32 v2, $0x400;
	_ =	sdelay $0x1  }
0x1c: {  	s25 =	simm.s32 $0x10  }
0x1d: {  	v3 =	vadd.s32 s25, v1  }
0x1e: {  	vm9 =	vgt.s32 v3, $0x0  }
0x1f: {  	v3 =	vnsel vm9, $0x0, v3;
	v2 =	vld.idx.msk [tilespmem:v2+s2+$0x0], $0xffff  }
0x20: {  	v3 =	vmin.u32 v3, $0x400;
	_ =	sdelay $0x1  }
0x21: {  	s10 =	simm.s32 $0x20  }
0x22: {  	s9 =	simm.s32 $0x4C0;
	v4 =	vadd.s32 s10, v1  }
0x23: {  	vm10 =	vgt.s32 v4, $0x0;
	[tilespmem:s9+$0xFFFFFFC0] =	vst v2  }
0x24: {  	v2 =	vld.idx.msk [tilespmem:v3+s2+$0x0], $0xffff;
	v3 =	vnsel vm10, $0x0, v4  }
0x25: {  	v3 =	vmin.u32 v3, $0x400;
	_ =	sdelay $0x1  }
0x26: {  	s26 =	simm.s32 $0x30  }
0x27: {  	v4 =	vadd.s32 s26, v1  }
0x28: {  	vm11 =	vgt.s32 v4, $0x0;
	[tilespmem:s9+$0xFFFFFFD0] =	vst v2  }
0x29: {  	v2 =	vld.idx.msk [tilespmem:v3+s2+$0x0], $0xffff;
	v3 =	vnsel vm11, $0x0, v4  }
0x2a: {  	v3 =	vmin.u32 v3, $0x400;
	_ =	sdelay $0x1  }
0x2b: {  	s28 =	simm.s32 $0x40  }
0x2c: {  	v4 =	vadd.s32 s28, v1  }
0x2d: {  	vm12 =	vgt.s32 v4, $0x0;
	[tilespmem:s9+$0xFFFFFFE0] =	vst v2  }
0x2e: {  	v2 =	vld.idx.msk [tilespmem:v3+s2+$0x0], $0xffff;
	v3 =	vnsel vm12, $0x0, v4  }
0x2f: {  	v3 =	vmin.u32 v3, $0x400;
	_ =	sdelay $0x1  }
0x30: {  	s29 =	simm.s32 $0x50  }
0x31: {  	v4 =	vadd.s32 s29, v1  }
0x32: {  	vm13 =	vgt.s32 v4, $0x0;
	[tilespmem:s9+$0xFFFFFFF0] =	vst v2  }
0x33: {  	v2 =	vld.idx.msk [tilespmem:v3+s2+$0x0], $0xffff;
	v3 =	vnsel vm13, $0x0, v4  }
0x34: {  	v3 =	vmin.u32 v3, $0x400;
	_ =	sdelay $0x1  }
0x35: {  	s30 =	simm.s32 $0x60  }
0x36: {  	v4 =	vadd.s32 s30, v1  }
0x37: {  	vm14 =	vgt.s32 v4, $0x0;
	[tilespmem:s9+$0x0] =	vst v2  }
0x38: {  	v2 =	vld.idx.msk [tilespmem:v3+s2+$0x0], $0xffff;
	v3 =	vnsel vm14, $0x0, v4  }
0x39: {  	v3 =	vmin.u32 v3, $0x400;
	_ =	sdelay $0x1  }
0x3a: {  	s31 =	simm.s32 $0x70  }
0x3b: {  	v4 =	vadd.s32 s31, v1  }
0x3c: {  	vm15 =	vgt.s32 v4, $0x0;
	[tilespmem:s9+$0x10] =	vst v2  }
0x3d: {  	v4 =	vnsel vm15, $0x0, v4;
	v2 =	vld.idx.msk [tilespmem:v3+s2+$0x0], $0xffff  }
0x3e: {  	v3 =	vmin.u32 v4, $0x400;
	_ =	sdelay $0x2  }
0x3f: {  	s12 =	simm.s32 $0x80;
	s11 =	simm.s32 $0x170;
	s10 =	simm.s32 $0xF0  }
.LBB2_2:
0x40: {  	p0 =	sne.s32 s11, $0x870;
	v4 =	vadd.s32 s12, v1;
	[tilespmem:s9+$0x20] =	vst v2  }
0x41: {  	vm0 =	vgt.s32 v4, $0x0;
	v2 =	vld.idx.msk [tilespmem:v3+s2+$0x0], $0xffff  }
0x42: {  	v3 =	vnsel vm0, $0x0, v4  }
0x43: {  	v3 =	vmin.u32 v3, $0x400;
	_ =	sdelay $0x2  }
0x44: {  	s12 =	sadd.s32 $0xFFFFFFA0, s10  }
0x45: {  	v4 =	vadd.s32 s12, v1;
	[tilespmem:s9+$0x30] =	vst v2  }
0x46: {  	vm0 =	vgt.s32 v4, $0x0;
	v2 =	vld.idx.msk [tilespmem:v3+s2+$0x0], $0xffff  }
0x47: {  	v3 =	vnsel vm0, $0x0, v4  }
0x48: {  	v3 =	vmin.u32 v3, $0x400;
	_ =	sdelay $0x2  }
0x49: {  	s12 =	sadd.s32 $0xFFFFFFB0, s10;
	s9 =	sadd.s32 $0x80, s9  }
0x4a: {  	[tilespmem:s9+$0xFFFFFFC0] =	vst v2;
	v2 =	vadd.s32 s12, v1  }
0x4b: {  	v3 =	vld.idx.msk [tilespmem:v3+s2+$0x0], $0xffff;
	vm0 =	vgt.s32 v2, $0x0  }
0x4c: {  	v2 =	vnsel vm0, $0x0, v2  }
0x4d: {  	v2 =	vmin.u32 v2, $0x400;
	_ =	sdelay $0x2  }
0x4e: {  	s12 =	sadd.s32 $0xFFFFFFC0, s10  }
0x4f: {  	[tilespmem:s9+$0xFFFFFFD0] =	vst v3;
	v3 =	vadd.s32 s12, v1  }
0x50: {  	v2 =	vld.idx.msk [tilespmem:v2+s2+$0x0], $0xffff;
	vm0 =	vgt.s32 v3, $0x0  }
0x51: {  	v3 =	vnsel vm0, $0x0, v3  }
0x52: {  	v3 =	vmin.u32 v3, $0x400;
	_ =	sdelay $0x2  }
0x53: {  	s12 =	sadd.s32 $0xFFFFFFD0, s10  }
0x54: {  	[tilespmem:s9+$0xFFFFFFE0] =	vst v2;
	v2 =	vadd.s32 s12, v1  }
0x55: {  	v3 =	vld.idx.msk [tilespmem:v3+s2+$0x0], $0xffff;
	vm0 =	vgt.s32 v2, $0x0  }
0x56: {  	v2 =	vnsel vm0, $0x0, v2  }
0x57: {  	v2 =	vmin.u32 v2, $0x400;
	_ =	sdelay $0x2  }
0x58: {  	s12 =	sadd.s32 $0xFFFFFFE0, s10  }
0x59: {  	[tilespmem:s9+$0xFFFFFFF0] =	vst v3;
	v3 =	vadd.s32 s12, v1  }
0x5a: {  	v2 =	vld.idx.msk [tilespmem:v2+s2+$0x0], $0xffff;
	vm0 =	vgt.s32 v3, $0x0  }
0x5b: {  	v3 =	vnsel vm0, $0x0, v3  }
0x5c: {  	v3 =	vmin.u32 v3, $0x400;
	_ =	sdelay $0x2  }
0x5d: {  	s12 =	sadd.s32 $0xFFFFFFF0, s10  }
0x5e: {  	[tilespmem:s9+$0x0] =	vst v2;
	v2 =	vadd.s32 s12, v1  }
0x5f: {  	v3 =	vld.idx.msk [tilespmem:v3+s2+$0x0], $0xffff;
	vm0 =	vgt.s32 v2, $0x0  }
0x60: {  	v2 =	vnsel vm0, $0x0, v2  }
0x61: {  	v2 =	vmin.u32 v2, $0x400;
	_ =	sdelay $0x3  }
0x62: {  	[tilespmem:s9+$0x10] =	vst v3;
	v3 =	vadd.s32 s10, v1;
	s10 =	smov.u32 s11  }
0x63: {  	v2 =	vld.idx.msk [tilespmem:v2+s2+$0x0], $0xffff;
	vm0 =	vgt.s32 v3, $0x0  }
.Ltmp0:
0x64: {  	v3 =	vnsel vm0, $0x0, v3;
	(pc) =	sbr.rel @p0 .LBB2_2-.Ltmp0, $2  }
0x65: {  	v3 =	vmin.u32 v3, $0x400;
	_ =	sdelay $0x2  }
0x66: {  	s11 =	sadd.s32 $0x80, s11;
	s12 =	sadd.s32 $0xFFFFFF90, s10  }
0x67: {  	_ =	sdelay $0x1  }
0x68: {  	v4 =	vadd.s32 s12, v1  }
0x69: {  	[tilespmem:s9+$0x20] =	vst v2;
	vm0 =	vgt.s32 v4, $0x0  }
0x6a: {  	v2 =	vld.idx.msk [tilespmem:v3+s2+$0x0], $0xffff;
	v3 =	vnsel vm0, $0x0, v4  }
0x6b: {  	v3 =	vmin.u32 v3, $0x400;
	_ =	sdelay $0x1  }
0x6c: {  	s11 =	sadd.s32 $0xFFFFFFA0, s10  }
0x6d: {  	v58 =	vadd.s32 s11, v1  }
0x6e: {  	vm9 =	vgt.s32 v58, $0x0;
	[tilespmem:s9+$0x30] =	vst v2  }
0x6f: {  	v2 =	vld.idx.msk [tilespmem:v3+s2+$0x0], $0xffff;
	v3 =	vnsel vm9, $0x0, v58  }
0x70: {  	v3 =	vmin.u32 v3, $0x400;
	_ =	sdelay $0x1  }
0x71: {  	s25 =	sadd.s32 $0xFFFFFFB0, s10  }
0x72: {  	s26 =	sadd.s32 $0x80, s9;
	v59 =	vadd.s32 s25, v1  }
0x73: {  	vm10 =	vgt.s32 v59, $0x0;
	[tilespmem:s26+$0xFFFFFFC0] =	vst v2  }
0x74: {  	v2 =	vld.idx.msk [tilespmem:v3+s2+$0x0], $0xffff;
	v3 =	vnsel vm10, $0x0, v59  }
0x75: {  	v3 =	vmin.u32 v3, $0x400;
	_ =	sdelay $0x1  }
0x76: {  	s28 =	sadd.s32 $0xFFFFFFC0, s10  }
0x77: {  	v60 =	vadd.s32 s28, v1  }
0x78: {  	vm11 =	vgt.s32 v60, $0x0;
	[tilespmem:s26+$0xFFFFFFD0] =	vst v2  }
0x79: {  	v2 =	vld.idx.msk [tilespmem:v3+s2+$0x0], $0xffff;
	v3 =	vnsel vm11, $0x0, v60  }
0x7a: {  	v3 =	vmin.u32 v3, $0x400;
	_ =	sdelay $0x1  }
0x7b: {  	s29 =	sadd.s32 $0xFFFFFFD0, s10  }
0x7c: {  	v61 =	vadd.s32 s29, v1  }
0x7d: {  	vm12 =	vgt.s32 v61, $0x0;
	[tilespmem:s26+$0xFFFFFFE0] =	vst v2  }
0x7e: {  	v2 =	vld.idx.msk [tilespmem:v3+s2+$0x0], $0xffff;
	v3 =	vnsel vm12, $0x0, v61  }
0x7f: {  	v3 =	vmin.u32 v3, $0x400;
	_ =	sdelay $0x1  }
0x80: {  	s30 =	sadd.s32 $0xFFFFFFE0, s10  }
0x81: {  	v62 =	vadd.s32 s30, v1  }
0x82: {  	vm13 =	vgt.s32 v62, $0x0;
	[tilespmem:s26+$0xFFFFFFF0] =	vst v2  }
0x83: {  	v2 =	vld.idx.msk [tilespmem:v3+s2+$0x0], $0xffff;
	v3 =	vnsel vm13, $0x0, v62  }
0x84: {  	v3 =	vmin.u32 v3, $0x400;
	_ =	sdelay $0x1  }
0x85: {  	s31 =	sadd.s32 $0xFFFFFFF0, s10  }
0x86: {  	v63 =	vadd.s32 s31, v1  }
0x87: {  	vm14 =	vgt.s32 v63, $0x0;
	[tilespmem:s26+$0x0] =	vst v2  }
0x88: {  	v2 =	vld.idx.msk [tilespmem:v3+s2+$0x0], $0xffff;
	v3 =	vnsel vm14, $0x0, v63  }
0x89: {  	v3 =	vmin.u32 v3, $0x400;
	_ =	sdelay $0x2  }
0x8a: {  	v1 =	vadd.s32 s10, v1  }
0x8b: {  	vm15 =	vgt.s32 v1, $0x0;
	[tilespmem:s26+$0x10] =	vst v2  }
0x8c: {  	v1 =	vnsel vm15, $0x0, v1;
	v2 =	vld.idx.msk [tilespmem:v3+s2+$0x0], $0xffff  }
0x8d: {  	v1 =	vmin.u32 v1, $0x400;
	_ =	sdelay $0x3  }
0x8e: {  	[tilespmem:s26+$0x20] =	vst v2  }
0x8f: {  	v1 =	vld.idx.msk [tilespmem:v1+s2+$0x0], $0xffff;
	_ =	sdelay $0x2  }
0x90: {  	s8 =	sadd.s32 $0x1, s8  }
0x91: {  	p0 =	sne.s32 s8, s6  }
.Ltmp1:
0x92: {  	[tilespmem:s26+$0x30] =	vst v1;
	(pc) =	sbr.rel @p0 .LBB2_1-.Ltmp1, $4  }
0x93: {  	[hbm4b:s5+s2] =	stream.linear.scatter [tilespmem:s7], [sflag:$0x1], $0x880, $0x38;
	[tilespmem:$0xD00] =	vst v63  }
0x94: {  	_ =	swait.ge [sflag:s3], $0x880  }
0x95: {  	[sflag:s3] =	ssyncset.done $0x0  }
0x96: {  	[sflag:s3] =	ssyncadd.s32 $0xFFFFF780  }
0x97: {  	_ =	sfence.sel $0x180000  }
0x98: {  	[bflag:$0x0] =	sbarrier.arrive $0xFFFF  }
0x99: {  	p0 =	sne.s32 s0, $0x0;
	_ =	strace $0x90000047  }
0x9a: {  	s0 =	sadd.s32 @!p0 $0x100000, s1;
	[bflag:$0x2] =	sbarrier.arrive $0xFFFF  }
0x9b: {  	[sflag:s0] =	ssyncadd.tile.s32 @!p0 $0x1;
	_ =	shalt  }
.Lfunc_end2:
_tile_overlayer_lowered:
.L_overlay_start_2:
0x9c: {  	(tag) =	ssettag $0x2  }
0x9d: {  	s0 =	rddreg [dreg:$0x0];
	s2 =	stileid.u32  }
0x9e: {  	s1 =	rddreg [dreg:$0x1];
	p0 =	sne.s32 s2, $0x0  }
0x9f: {  	s3 =	rddreg [dreg:$0x2];
	[bflag:$0x3] =	sbarrier.arrive $0xFFFF;
	s2 =	simm.s32 @!p0 $0x1C01  }
0xa0: {  	[timem:s3], [sflag:s2] =	dma.local @!p0 [hbm:s0], s1  }
0xa1: {  	s0 =	simm.s32 @!p0 $0x1  }
0xa2: {  	_ =	swait.ge @!p0 [sflag:s0], s1  }
0xa3: {  	s1 =	ssub.s32 @!p0 $0x0, s1;
	[sflag:s0] =	ssyncset.done @!p0 $0x0  }
0xa4: {  	[sflag:s0] =	ssyncadd.s32 @!p0 s1  }
0xa5: {  	[bflag:$0x3] =	sbarrier.arrive $0xFFFF  }
0xa6: {  	_ =	shalt  }

</sc_bundles>
